<compile_context>
chip_gen: v7x
topology: tpu7x:2x2x1
jax: 0.10.2.dev20260603
libtpu: 0.0.44.dev20260713+nightly
codegen_flags: <defaults>
</compile_context>

<pallas_src>
import functools
import math

import jax
import jax.numpy as jnp
from jax import lax
from jax.experimental import pallas as pl
from jax.experimental.pallas import tpu as pltpu
from jax.experimental.pallas import tpu_sc as plsc

N = 10000
E = 640000
H = 8
HEAD_DIM = 64
NC = 2
NS = 16
NW = NC * NS
EW = E // NW
C = 400
NCHUNK = EW // C
G = C // 16
NROW = N // NS


def _i32full(v):
    return jnp.full((16,), v, jnp.int32)


def _scores_kernel(p48, xa5, row, col, scores_out, wmax_out,
                   xa_v, row_v, col_v, pbuf, sc_v, wmax_v, sem):
    wid = lax.axis_index("s") * NC + lax.axis_index("c")
    pltpu.sync_copy(xa5, xa_v)
    neg = jnp.full((16,), -3.0e38, jnp.float32)
    lane0 = lax.iota(jnp.int32, 16)

    def chunk_body(k, rmax):
        base = wid * EW + k * C
        pltpu.sync_copy(row.at[pl.ds(base, C)], row_v)
        pltpu.sync_copy(col.at[pl.ds(base, C)], col_v)
        pltpu.async_copy(p48.at[row_v], pbuf, sem).wait()

        def group_body(g, rmax):
            ecol = col_v[pl.ds(g * 16, 16)]
            lane = lane0 + g * 16
            xac = [plsc.load_gather(xa_v, [ecol, _i32full(j)]) for j in range(5)]
            out = []
            for h in range(H):
                acc = plsc.load_gather(pbuf, [lane, _i32full(h * 6)]) * xac[0]
                for j in range(1, 5):
                    acc = acc + plsc.load_gather(pbuf, [lane, _i32full(h * 6 + j)]) * xac[j]
                sc_v[h, pl.ds(g * 16, 16)] = acc
                out.append(jnp.maximum(rmax[h], acc))
            return tuple(out)

        rmax = lax.fori_loop(0, G, group_body, rmax)
        pltpu.sync_copy(sc_v, scores_out.at[wid, k])
        return rmax

    rmax = lax.fori_loop(0, NCHUNK, chunk_body, tuple(neg for _ in range(H)))
    for h in range(H):
        wmax_v[h, :] = rmax[h]
    pltpu.sync_copy(wmax_v, wmax_out.at[wid])


def _aggregate_kernel(scores, m16, xa16, row, col, zeros48, s_out,
                      row_v, col_v, sc_v, obuf, xbuf, m_v, s_shared, sem):
    cid = lax.axis_index("c")
    sid = lax.axis_index("s")
    wid = sid * NC + cid
    pltpu.sync_copy(m16, m_v)
    r0 = sid * NROW
    pltpu.sync_copy(zeros48.at[pl.ds(r0, NROW)], s_shared.at[pl.ds(r0, NROW)])
    plsc.subcore_barrier()
    lane0 = lax.iota(jnp.int32, 16)

    def chunk_body(k, carry):
        base = wid * EW + k * C
        pltpu.sync_copy(row.at[pl.ds(base, C)], row_v)
        pltpu.sync_copy(col.at[pl.ds(base, C)], col_v)
        pltpu.sync_copy(scores.at[wid, k], sc_v)
        pltpu.async_copy(xa16.at[row_v], xbuf, sem).wait()

        def group_body(g, carry):
            lane = lane0 + g * 16
            xar = [plsc.load_gather(xbuf, [lane, _i32full(j)]) for j in range(5)]
            for h in range(H):
                w = jnp.exp(sc_v[h, pl.ds(g * 16, 16)] - m_v[h, :])
                for j in range(5):
                    plsc.store_scatter(obuf, [lane, _i32full(h * 6 + j)], w * xar[j])
            return carry

        lax.fori_loop(0, G, group_body, 0)
        pltpu.sync_copy(obuf, s_shared.at[col_v], add=True)
        return carry

    lax.fori_loop(0, NCHUNK, chunk_body, 0)
    plsc.subcore_barrier()
    pltpu.sync_copy(s_shared.at[pl.ds(r0, NROW)], s_out.at[cid, pl.ds(r0, NROW)])


_mesh = plsc.VectorSubcoreMesh(core_axis_name="c", subcore_axis_name="s")

_scores_call = functools.partial(
    pl.kernel,
    out_type=[jax.ShapeDtypeStruct((NW, NCHUNK, H, C), jnp.float32),
              jax.ShapeDtypeStruct((NW, H, 16), jnp.float32)],
    mesh=_mesh,
    scratch_types=[
        pltpu.VMEM((N, 5), jnp.float32),
        pltpu.VMEM((C,), jnp.int32),
        pltpu.VMEM((C,), jnp.int32),
        pltpu.VMEM((C, 48), jnp.float32),
        pltpu.VMEM((H, C), jnp.float32),
        pltpu.VMEM((H, 16), jnp.float32),
        pltpu.SemaphoreType.DMA,
    ],
    compiler_params=pltpu.CompilerParams(needs_layout_passes=False, use_tc_tiling_on_sc=False),
)(_scores_kernel)

_aggregate_call = functools.partial(
    pl.kernel,
    out_type=jax.ShapeDtypeStruct((NC, N, 48), jnp.float32),
    mesh=_mesh,
    scratch_types=[
        pltpu.VMEM((C,), jnp.int32),
        pltpu.VMEM((C,), jnp.int32),
        pltpu.VMEM((H, C), jnp.float32),
        pltpu.VMEM((C, 48), jnp.float32),
        pltpu.VMEM((C, 16), jnp.float32),
        pltpu.VMEM((H, 16), jnp.float32),
        pltpu.VMEM_SHARED((N, 48), jnp.float32),
        pltpu.SemaphoreType.DMA,
    ],
    compiler_params=pltpu.CompilerParams(needs_layout_passes=False, use_tc_tiling_on_sc=False),
)(_aggregate_kernel)


def kernel(x, edge_index, Wq, bq, Wk, bk, Wv, bv, Wo, bo):
    f32 = jnp.float32
    hp = jax.lax.Precision.HIGHEST
    x = x.astype(f32)
    row = edge_index[0].astype(jnp.int32)
    col = edge_index[1].astype(jnp.int32)

    Wqh = Wq.reshape(H, HEAD_DIM, 4)
    Wkh = Wk.reshape(H, HEAD_DIM, 4)
    Wvh = Wv.reshape(H, HEAD_DIM, 4)
    bqh = bq.reshape(H, HEAD_DIM)
    bkh = bk.reshape(H, HEAD_DIM)
    bvh = bv.reshape(H, HEAD_DIM)
    A = jnp.einsum('hdi,hdj->hij', Wqh, Wkh, precision=hp)
    u = jnp.einsum('hd,hdj->hj', bqh, Wkh, precision=hp)
    v = jnp.einsum('hdi,hd->hi', Wqh, bkh, precision=hp)
    cterm = jnp.sum(bqh * bkh, axis=1)

    inv = 1.0 / math.sqrt(float(HEAD_DIM))
    P4 = (jnp.einsum('ni,hij->nhj', x, A, precision=hp) + u[None]) * inv
    P1 = (jnp.einsum('ni,hi->nh', x, v, precision=hp) + cterm[None]) * inv
    P6 = jnp.concatenate(
        [P4, P1[:, :, None], jnp.zeros((N, H, 1), f32)], axis=2)
    p48 = P6.reshape(N, 48)
    xa5 = jnp.concatenate([x, jnp.ones((N, 1), f32)], axis=1)
    xa16 = jnp.concatenate([xa5, jnp.zeros((N, 11), f32)], axis=1)

    scores, wmax = _scores_call(p48, xa5, row, col)
    m = jnp.max(wmax, axis=(0, 2))
    m16 = jnp.broadcast_to(m[:, None], (H, 16))

    zeros48 = jnp.zeros((N, 48), f32)
    s_parts = _aggregate_call(scores, m16, xa16, row, col, zeros48)

    S = (s_parts[0] + s_parts[1]).reshape(N, H, 6)[:, :, :5]
    Z = jnp.sum(S[:, :, 4], axis=0)
    Sn = S / Z[None, :, None]
    Wvb = jnp.concatenate([Wvh, bvh[:, :, None]], axis=2)
    Woh = jnp.transpose(Wo.reshape(4, H, HEAD_DIM), (1, 0, 2))
    B = jnp.einsum('had,hdj->haj', Woh, Wvb, precision=hp)
    out = jnp.einsum('nhj,haj->na', Sn, B, precision=hp) + bo[None] + x
    return out

# --- scband reference (transcript-rebuilt; emitter-appended) ---
"""Pipeline reference for scband-complex-graph-attention-23545010716679 (READ-ONLY COPY).

The authoritative reference and input builder live on the scoring server;
editing this copy changes nothing except your own understanding.
"""

import jax, jax.numpy as jnp
import numpy as np
import math

HIDDEN = 512
HEADS = 8
HEAD_DIM = HIDDEN // HEADS
N_NODES = 10000
N_EDGES = 640000


def setup_inputs(seed: int = 0) -> dict:
    key = jax.random.key(seed)
    ks = jax.random.split(key, 12)
    x = jax.random.normal(ks[0], (N_NODES, 4), dtype=jnp.float32)
    edge_index = jax.random.randint(ks[1], (2, N_EDGES), 0, N_NODES).astype(jnp.int64)
    s_in = 1.0 / math.sqrt(4.0)
    s_out = 1.0 / math.sqrt(float(HIDDEN))
    Wq = jax.random.normal(ks[2], (HIDDEN, 4), dtype=jnp.float32) * s_in
    bq = jnp.zeros((HIDDEN,), dtype=jnp.float32)
    Wk = jax.random.normal(ks[3], (HIDDEN, 4), dtype=jnp.float32) * s_in
    bk = jnp.zeros((HIDDEN,), dtype=jnp.float32)
    Wv = jax.random.normal(ks[4], (HIDDEN, 4), dtype=jnp.float32) * s_in
    bv = jnp.zeros((HIDDEN,), dtype=jnp.float32)
    Wo = jax.random.normal(ks[5], (4, HIDDEN), dtype=jnp.float32) * s_out
    bo = jnp.zeros((4,), dtype=jnp.float32)
    return {"x": x, "edge_index": edge_index, "Wq": Wq, "bq": bq, "Wk": Wk, "bk": bk, "Wv": Wv, "bv": bv, "Wo": Wo, "bo": bo}


def reference(x, edge_index, Wq, bq, Wk, bk, Wv, bv, Wo, bo):
    # Faithful JAX translation of ComplexGraphAttention.forward (eval mode, dropout = identity).
    num_nodes = x.shape[0]
    Q = (x @ Wq.T + bq).reshape(num_nodes, HEADS, HEAD_DIM)
    K = (x @ Wk.T + bk).reshape(num_nodes, HEADS, HEAD_DIM)
    V = (x @ Wv.T + bv).reshape(num_nodes, HEADS, HEAD_DIM)
    row = edge_index[0]
    col = edge_index[1]
    # Per-head edge attention scores: [E, H]
    scores = jnp.sum(Q[row] * K[col], axis=-1) / math.sqrt(float(HEAD_DIM))
    # NOTE: original code applies softmax over ALL edges (dim=0), per head -- kept faithful.
    attention_weights = jax.nn.softmax(scores, axis=0)
    # Scatter-add into destination nodes: attended[col] += w * V[row]
    attended = jnp.zeros((num_nodes, HEADS, HEAD_DIM), dtype=x.dtype).at[col].add(
        attention_weights[:, :, None] * V[row]
    )
    attended_out = attended.reshape(num_nodes, HIDDEN)
    output = attended_out @ Wo.T + bo
    return output + x

if __name__ == "__main__":
    import jax
    _d = setup_inputs()
    print(jax.jit(kernel)(*tuple(_d.values())))

</pallas_src>

<mosaic_0001>
#map = affine_map<(d0, d1) -> (0, 0)>
#map1 = affine_map<(d0, d1) -> (0)>
#map2 = affine_map<(d0, d1) -> (0, 0, 0, 0)>
#map3 = affine_map<(d0, d1) -> (0, 0, 0)>
module attributes {stable_mosaic.version = 14 : i64} {
  func.func @_scores_kernel(%arg0: i32, %arg1: i32, %arg2: memref<10000x48xf32, #tpu.memory_space<hbm>>, %arg3: memref<10000x5xf32, #tpu.memory_space<hbm>>, %arg4: memref<640000xi32, #tpu.memory_space<hbm>>, %arg5: memref<640000xi32, #tpu.memory_space<hbm>>, %arg6: memref<32x50x8x400xf32, #tpu.memory_space<hbm>>, %arg7: memref<32x8x16xf32, #tpu.memory_space<hbm>>, %arg8: memref<10000x5xf32, #tpu.memory_space<vmem>>, %arg9: memref<400xi32, #tpu.memory_space<vmem>>, %arg10: memref<400xi32, #tpu.memory_space<vmem>>, %arg11: memref<400x48xf32, #tpu.memory_space<vmem>>, %arg12: memref<8x400xf32, #tpu.memory_space<vmem>>, %arg13: memref<8x16xf32, #tpu.memory_space<vmem>>, %arg14: memref<!tpu.dma_semaphore, #tpu.memory_space<semaphore_mem>>) attributes {dimension_semantics = [#tpu.dimension_semantics<core_parallel>, #tpu.dimension_semantics<subcore_parallel>], iteration_bounds = array<i64: 2, 16>, scalar_prefetch = 0 : i64, scratch_operands = 7 : i64, tpu.core_type = #tpu.core_type<sc_vector_subcore>, window_params = [{transform_indices = #map}, {transform_indices = #map}, {transform_indices = #map1}, {transform_indices = #map1}, {transform_indices = #map2}, {transform_indices = #map3}]} {
    %mul3A = arith.constant 2 : i32
    %mul3A_0 = arith.muli %arg1, %mul3A : i32
    %add3A = arith.addi %mul3A_0, %arg0 : i32
    "tpu.region"() ({
      %run_scoped3A = tpu.sem_alloc : memref<!tpu.dma_semaphore, #tpu.memory_space<semaphore_mem>>
      tpu.enqueue_dma source(%arg3 : memref<10000x5xf32, #tpu.memory_space<hbm>>) target(%arg8 : memref<10000x5xf32, #tpu.memory_space<vmem>>) target_semaphore(%run_scoped3A : memref<!tpu.dma_semaphore, #tpu.memory_space<semaphore_mem>>)
      tpu.wait_dma2 semaphore(%run_scoped3A : memref<!tpu.dma_semaphore, #tpu.memory_space<semaphore_mem>>) src(%arg3 : memref<10000x5xf32, #tpu.memory_space<hbm>>) dst(%arg8 : memref<10000x5xf32, #tpu.memory_space<vmem>>)
      tpu.yield
    }) : () -> ()
    %broadcast_in_dim3A = arith.constant -3.000000e+38 : f32
    %broadcast_in_dim3A_1 = vector.broadcast %broadcast_in_dim3A : f32 to vector<16xf32>
    %iota3A = tpu.iota {dimensions = array<i32: 0>} : vector<16xi32>
    %scan3A = arith.constant 0 : i32
    %scan3A_2 = arith.constant 50 : i32
    %scan3A_3 = arith.addi %scan3A, %scan3A_2 : i32
    %scan3A_4 = arith.constant 1 : i32
    %scan3A_5:8 = scf.for %scan3A_38 = %scan3A to %scan3A_3 step %scan3A_4 iter_args(%scan3A_39 = %broadcast_in_dim3A_1, %scan3A_40 = %broadcast_in_dim3A_1, %scan3A_41 = %broadcast_in_dim3A_1, %scan3A_42 = %broadcast_in_dim3A_1, %scan3A_43 = %broadcast_in_dim3A_1, %scan3A_44 = %broadcast_in_dim3A_1, %scan3A_45 = %broadcast_in_dim3A_1, %scan3A_46 = %broadcast_in_dim3A_1) -> (vector<16xf32>, vector<16xf32>, vector<16xf32>, vector<16xf32>, vector<16xf32>, vector<16xf32>, vector<16xf32>, vector<16xf32>)  : i32 {
      %mul3A_47 = arith.constant 20000 : i32
      %mul3A_48 = arith.muli %add3A, %mul3A_47 : i32
      %mul3A_49 = arith.constant 400 : i32
      %mul3A_50 = arith.muli %scan3A_38, %mul3A_49 : i32
      %add3A_51 = arith.addi %mul3A_48, %mul3A_50 : i32
      "tpu.region"() ({
        %run_scoped3A = tpu.sem_alloc : memref<!tpu.dma_semaphore, #tpu.memory_space<semaphore_mem>>
        %dma_start3A_62 = tpu.memref_slice %arg4[%add3A_51] : memref<640000xi32, #tpu.memory_space<hbm>> -> memref<400xi32, #tpu.memory_space<hbm>>
        %dma_start3A_63 = tpu.memref_slice %arg4[%add3A_51] : memref<640000xi32, #tpu.memory_space<hbm>> -> memref<400xi32, #tpu.memory_space<hbm>>
        tpu.enqueue_dma source(%dma_start3A_63 : memref<400xi32, #tpu.memory_space<hbm>>) target(%arg9 : memref<400xi32, #tpu.memory_space<vmem>>) target_semaphore(%run_scoped3A : memref<!tpu.dma_semaphore, #tpu.memory_space<semaphore_mem>>)
        %dma_wait3A_64 = tpu.memref_slice %arg4[%add3A_51] : memref<640000xi32, #tpu.memory_space<hbm>> -> memref<400xi32, #tpu.memory_space<hbm>>
        %dma_wait3A_65 = tpu.memref_slice %arg4[%add3A_51] : memref<640000xi32, #tpu.memory_space<hbm>> -> memref<400xi32, #tpu.memory_space<hbm>>
        tpu.wait_dma2 semaphore(%run_scoped3A : memref<!tpu.dma_semaphore, #tpu.memory_space<semaphore_mem>>) src(%dma_wait3A_65 : memref<400xi32, #tpu.memory_space<hbm>>) dst(%arg9 : memref<400xi32, #tpu.memory_space<vmem>>)
        tpu.yield
      }) : () -> ()
      "tpu.region"() ({
        %run_scoped3A = tpu.sem_alloc : memref<!tpu.dma_semaphore, #tpu.memory_space<semaphore_mem>>
        %dma_start3A_62 = tpu.memref_slice %arg5[%add3A_51] : memref<640000xi32, #tpu.memory_space<hbm>> -> memref<400xi32, #tpu.memory_space<hbm>>
        %dma_start3A_63 = tpu.memref_slice %arg5[%add3A_51] : memref<640000xi32, #tpu.memory_space<hbm>> -> memref<400xi32, #tpu.memory_space<hbm>>
        tpu.enqueue_dma source(%dma_start3A_63 : memref<400xi32, #tpu.memory_space<hbm>>) target(%arg10 : memref<400xi32, #tpu.memory_space<vmem>>) target_semaphore(%run_scoped3A : memref<!tpu.dma_semaphore, #tpu.memory_space<semaphore_mem>>)
        %dma_wait3A_64 = tpu.memref_slice %arg5[%add3A_51] : memref<640000xi32, #tpu.memory_space<hbm>> -> memref<400xi32, #tpu.memory_space<hbm>>
        %dma_wait3A_65 = tpu.memref_slice %arg5[%add3A_51] : memref<640000xi32, #tpu.memory_space<hbm>> -> memref<400xi32, #tpu.memory_space<hbm>>
        tpu.wait_dma2 semaphore(%run_scoped3A : memref<!tpu.dma_semaphore, #tpu.memory_space<semaphore_mem>>) src(%dma_wait3A_65 : memref<400xi32, #tpu.memory_space<hbm>>) dst(%arg10 : memref<400xi32, #tpu.memory_space<vmem>>)
        tpu.yield
      }) : () -> ()
      %dma_start3A = arith.constant 0 : i32
      %dma_start3A_52 = arith.constant 0 : i32
      %dma_start3A_53 = tpu.memref_slice %arg2[%dma_start3A, %dma_start3A_52] : memref<10000x48xf32, #tpu.memory_space<hbm>> -> memref<10000x48xf32, #tpu.memory_space<hbm>>
      tpu.enqueue_indirect_dma source(%dma_start3A_53 : memref<10000x48xf32, #tpu.memory_space<hbm>>) target(%arg11 : memref<400x48xf32, #tpu.memory_space<vmem>>) offsets(%arg9 : memref<400xi32, #tpu.memory_space<vmem>>) semaphore(%arg14 : memref<!tpu.dma_semaphore, #tpu.memory_space<semaphore_mem>>)
      %dma_wait3A = arith.constant 0 : i32
      %dma_wait3A_54 = arith.constant 0 : i32
      %dma_wait3A_55 = tpu.memref_slice %arg2[%dma_wait3A, %dma_wait3A_54] : memref<10000x48xf32, #tpu.memory_space<hbm>> -> memref<10000x48xf32, #tpu.memory_space<hbm>>
      tpu.wait_indirect_dma semaphore(%arg14 : memref<!tpu.dma_semaphore, #tpu.memory_space<semaphore_mem>>) src(%dma_wait3A_55 : memref<10000x48xf32, #tpu.memory_space<hbm>>) dst(%arg11 : memref<400x48xf32, #tpu.memory_space<vmem>>)
      %scan3A_56 = arith.constant 0 : i32
      %scan3A_57 = arith.constant 25 : i32
      %scan3A_58 = arith.addi %scan3A_56, %scan3A_57 : i32
      %scan3A_59 = arith.constant 1 : i32
      %scan3A_60:8 = scf.for %scan3A_62 = %scan3A_56 to %scan3A_58 step %scan3A_59 iter_args(%scan3A_63 = %scan3A_39, %scan3A_64 = %scan3A_40, %scan3A_65 = %scan3A_41, %scan3A_66 = %scan3A_42, %scan3A_67 = %scan3A_43, %scan3A_68 = %scan3A_44, %scan3A_69 = %scan3A_45, %scan3A_70 = %scan3A_46) -> (vector<16xf32>, vector<16xf32>, vector<16xf32>, vector<16xf32>, vector<16xf32>, vector<16xf32>, vector<16xf32>, vector<16xf32>)  : i32 {
        %mul3A_71 = arith.constant 16 : i32
        %mul3A_72 = arith.muli %scan3A_62, %mul3A_71 : i32
        %get3A = arith.index_cast %mul3A_72 : i32 to index
        %get3A_73 = tpu.vector_load %arg10[%get3A] {strides = array<i32>} : memref<400xi32, #tpu.memory_space<vmem>>, vector<16xi32>,
        %mul3A_74 = arith.constant 16 : i32
        %mul3A_75 = arith.muli %scan3A_62, %mul3A_74 : i32
        %add3A_76 = vector.broadcast %mul3A_75 : i32 to vector<16xi32>
        %add3A_77 = arith.addi %iota3A, %add3A_76 : vector<16xi32>
        %broadcast_in_dim3A_78 = arith.constant 0 : i32
        %broadcast_in_dim3A_79 = vector.broadcast %broadcast_in_dim3A_78 : i32 to vector<16xi32>
        %gather3A = tpu.vector_load_idx %arg8[%get3A_73, %broadcast_in_dim3A_79] : memref<10000x5xf32, #tpu.memory_space<vmem>>[vector<16xi32>, vector<16xi32>], vector<16xf32>,
        %broadcast_in_dim3A_80 = arith.constant 1 : i32
        %broadcast_in_dim3A_81 = vector.broadcast %broadcast_in_dim3A_80 : i32 to vector<16xi32>
        %gather3A_82 = tpu.vector_load_idx %arg8[%get3A_73, %broadcast_in_dim3A_81] : memref<10000x5xf32, #tpu.memory_space<vmem>>[vector<16xi32>, vector<16xi32>], vector<16xf32>,
        %broadcast_in_dim3A_83 = arith.constant 2 : i32
        %broadcast_in_dim3A_84 = vector.broadcast %broadcast_in_dim3A_83 : i32 to vector<16xi32>
        %gather3A_85 = tpu.vector_load_idx %arg8[%get3A_73, %broadcast_in_dim3A_84] : memref<10000x5xf32, #tpu.memory_space<vmem>>[vector<16xi32>, vector<16xi32>], vector<16xf32>,
        %broadcast_in_dim3A_86 = arith.constant 3 : i32
        %broadcast_in_dim3A_87 = vector.broadcast %broadcast_in_dim3A_86 : i32 to vector<16xi32>
        %gather3A_88 = tpu.vector_load_idx %arg8[%get3A_73, %broadcast_in_dim3A_87] : memref<10000x5xf32, #tpu.memory_space<vmem>>[vector<16xi32>, vector<16xi32>], vector<16xf32>,
        %broadcast_in_dim3A_89 = arith.constant 4 : i32
        %broadcast_in_dim3A_90 = vector.broadcast %broadcast_in_dim3A_89 : i32 to vector<16xi32>
        %gather3A_91 = tpu.vector_load_idx %arg8[%get3A_73, %broadcast_in_dim3A_90] : memref<10000x5xf32, #tpu.memory_space<vmem>>[vector<16xi32>, vector<16xi32>], vector<16xf32>,
        %broadcast_in_dim3A_92 = arith.constant 0 : i32
        %broadcast_in_dim3A_93 = vector.broadcast %broadcast_in_dim3A_92 : i32 to vector<16xi32>
        %gather3A_94 = tpu.vector_load_idx %arg11[%add3A_77, %broadcast_in_dim3A_93] : memref<400x48xf32, #tpu.memory_space<vmem>>[vector<16xi32>, vector<16xi32>], vector<16xf32>,
        %mul3A_95 = arith.mulf %gather3A_94, %gather3A : vector<16xf32>
        %broadcast_in_dim3A_96 = arith.constant 1 : i32
        %broadcast_in_dim3A_97 = vector.broadcast %broadcast_in_dim3A_96 : i32 to vector<16xi32>
        %gather3A_98 = tpu.vector_load_idx %arg11[%add3A_77, %broadcast_in_dim3A_97] : memref<400x48xf32, #tpu.memory_space<vmem>>[vector<16xi32>, vector<16xi32>], vector<16xf32>,
        %mul3A_99 = arith.mulf %gather3A_98, %gather3A_82 : vector<16xf32>
        %add3A_100 = arith.addf %mul3A_95, %mul3A_99 : vector<16xf32>
        %broadcast_in_dim3A_101 = arith.constant 2 : i32
        %broadcast_in_dim3A_102 = vector.broadcast %broadcast_in_dim3A_101 : i32 to vector<16xi32>
        %gather3A_103 = tpu.vector_load_idx %arg11[%add3A_77, %broadcast_in_dim3A_102] : memref<400x48xf32, #tpu.memory_space<vmem>>[vector<16xi32>, vector<16xi32>], vector<16xf32>,
        %mul3A_104 = arith.mulf %gather3A_103, %gather3A_85 : vector<16xf32>
        %add3A_105 = arith.addf %add3A_100, %mul3A_104 : vector<16xf32>
        %broadcast_in_dim3A_106 = arith.constant 3 : i32
        %broadcast_in_dim3A_107 = vector.broadcast %broadcast_in_dim3A_106 : i32 to vector<16xi32>
        %gather3A_108 = tpu.vector_load_idx %arg11[%add3A_77, %broadcast_in_dim3A_107] : memref<400x48xf32, #tpu.memory_space<vmem>>[vector<16xi32>, vector<16xi32>], vector<16xf32>,
        %mul3A_109 = arith.mulf %gather3A_108, %gather3A_88 : vector<16xf32>
        %add3A_110 = arith.addf %add3A_105, %mul3A_109 : vector<16xf32>
        %broadcast_in_dim3A_111 = arith.constant 4 : i32
        %broadcast_in_dim3A_112 = vector.broadcast %broadcast_in_dim3A_111 : i32 to vector<16xi32>
        %gather3A_113 = tpu.vector_load_idx %arg11[%add3A_77, %broadcast_in_dim3A_112] : memref<400x48xf32, #tpu.memory_space<vmem>>[vector<16xi32>, vector<16xi32>], vector<16xf32>,
        %mul3A_114 = arith.mulf %gather3A_113, %gather3A_91 : vector<16xf32>
        %add3A_115 = arith.addf %add3A_110, %mul3A_114 : vector<16xf32>
        %mul3A_116 = arith.constant 16 : i32
        %mul3A_117 = arith.muli %scan3A_62, %mul3A_116 : i32
        %swap3A_118 = arith.constant 0 : i32
        %swap3A_119 = arith.index_cast %swap3A_118 : i32 to index
        %swap3A_120 = arith.index_cast %mul3A_117 : i32 to index
        %swap3A_121 = tpu.vector_load %arg12[%swap3A_119, %swap3A_120] {strides = array<i32>} : memref<8x400xf32, #tpu.memory_space<vmem>>, vector<16xf32>,
        tpu.vector_store %arg12[%swap3A_119, %swap3A_120], %add3A_115 {strides = array<i32>} : memref<8x400xf32, #tpu.memory_space<vmem>>, vector<16xf32>,
        %max3A = arith.maximumf %scan3A_63, %add3A_115 : vector<16xf32>
        %broadcast_in_dim3A_122 = arith.constant 6 : i32
        %broadcast_in_dim3A_123 = vector.broadcast %broadcast_in_dim3A_122 : i32 to vector<16xi32>
        %gather3A_124 = tpu.vector_load_idx %arg11[%add3A_77, %broadcast_in_dim3A_123] : memref<400x48xf32, #tpu.memory_space<vmem>>[vector<16xi32>, vector<16xi32>], vector<16xf32>,
        %mul3A_125 = arith.mulf %gather3A_124, %gather3A : vector<16xf32>
        %broadcast_in_dim3A_126 = arith.constant 7 : i32
        %broadcast_in_dim3A_127 = vector.broadcast %broadcast_in_dim3A_126 : i32 to vector<16xi32>
        %gather3A_128 = tpu.vector_load_idx %arg11[%add3A_77, %broadcast_in_dim3A_127] : memref<400x48xf32, #tpu.memory_space<vmem>>[vector<16xi32>, vector<16xi32>], vector<16xf32>,
        %mul3A_129 = arith.mulf %gather3A_128, %gather3A_82 : vector<16xf32>
        %add3A_130 = arith.addf %mul3A_125, %mul3A_129 : vector<16xf32>
        %broadcast_in_dim3A_131 = arith.constant 8 : i32
        %broadcast_in_dim3A_132 = vector.broadcast %broadcast_in_dim3A_131 : i32 to vector<16xi32>
        %gather3A_133 = tpu.vector_load_idx %arg11[%add3A_77, %broadcast_in_dim3A_132] : memref<400x48xf32, #tpu.memory_space<vmem>>[vector<16xi32>, vector<16xi32>], vector<16xf32>,
        %mul3A_134 = arith.mulf %gather3A_133, %gather3A_85 : vector<16xf32>
        %add3A_135 = arith.addf %add3A_130, %mul3A_134 : vector<16xf32>
        %broadcast_in_dim3A_136 = arith.constant 9 : i32
        %broadcast_in_dim3A_137 = vector.broadcast %broadcast_in_dim3A_136 : i32 to vector<16xi32>
        %gather3A_138 = tpu.vector_load_idx %arg11[%add3A_77, %broadcast_in_dim3A_137] : memref<400x48xf32, #tpu.memory_space<vmem>>[vector<16xi32>, vector<16xi32>], vector<16xf32>,
        %mul3A_139 = arith.mulf %gather3A_138, %gather3A_88 : vector<16xf32>
        %add3A_140 = arith.addf %add3A_135, %mul3A_139 : vector<16xf32>
        %broadcast_in_dim3A_141 = arith.constant 10 : i32
        %broadcast_in_dim3A_142 = vector.broadcast %broadcast_in_dim3A_141 : i32 to vector<16xi32>
        %gather3A_143 = tpu.vector_load_idx %arg11[%add3A_77, %broadcast_in_dim3A_142] : memref<400x48xf32, #tpu.memory_space<vmem>>[vector<16xi32>, vector<16xi32>], vector<16xf32>,
        %mul3A_144 = arith.mulf %gather3A_143, %gather3A_91 : vector<16xf32>
        %add3A_145 = arith.addf %add3A_140, %mul3A_144 : vector<16xf32>
        %mul3A_146 = arith.constant 16 : i32
        %mul3A_147 = arith.muli %scan3A_62, %mul3A_146 : i32
        %swap3A_148 = arith.constant 1 : i32
        %swap3A_149 = arith.index_cast %swap3A_148 : i32 to index
        %swap3A_150 = arith.index_cast %mul3A_147 : i32 to index
        %swap3A_151 = tpu.vector_load %arg12[%swap3A_149, %swap3A_150] {strides = array<i32>} : memref<8x400xf32, #tpu.memory_space<vmem>>, vector<16xf32>,
        tpu.vector_store %arg12[%swap3A_149, %swap3A_150], %add3A_145 {strides = array<i32>} : memref<8x400xf32, #tpu.memory_space<vmem>>, vector<16xf32>,
        %max3A_152 = arith.maximumf %scan3A_64, %add3A_145 : vector<16xf32>
        %broadcast_in_dim3A_153 = arith.constant 12 : i32
        %broadcast_in_dim3A_154 = vector.broadcast %broadcast_in_dim3A_153 : i32 to vector<16xi32>
        %gather3A_155 = tpu.vector_load_idx %arg11[%add3A_77, %broadcast_in_dim3A_154] : memref<400x48xf32, #tpu.memory_space<vmem>>[vector<16xi32>, vector<16xi32>], vector<16xf32>,
        %mul3A_156 = arith.mulf %gather3A_155, %gather3A : vector<16xf32>
        %broadcast_in_dim3A_157 = arith.constant 13 : i32
        %broadcast_in_dim3A_158 = vector.broadcast %broadcast_in_dim3A_157 : i32 to vector<16xi32>
        %gather3A_159 = tpu.vector_load_idx %arg11[%add3A_77, %broadcast_in_dim3A_158] : memref<400x48xf32, #tpu.memory_space<vmem>>[vector<16xi32>, vector<16xi32>], vector<16xf32>,
        %mul3A_160 = arith.mulf %gather3A_159, %gather3A_82 : vector<16xf32>
        %add3A_161 = arith.addf %mul3A_156, %mul3A_160 : vector<16xf32>
        %broadcast_in_dim3A_162 = arith.constant 14 : i32
        %broadcast_in_dim3A_163 = vector.broadcast %broadcast_in_dim3A_162 : i32 to vector<16xi32>
        %gather3A_164 = tpu.vector_load_idx %arg11[%add3A_77, %broadcast_in_dim3A_163] : memref<400x48xf32, #tpu.memory_space<vmem>>[vector<16xi32>, vector<16xi32>], vector<16xf32>,
        %mul3A_165 = arith.mulf %gather3A_164, %gather3A_85 : vector<16xf32>
        %add3A_166 = arith.addf %add3A_161, %mul3A_165 : vector<16xf32>
        %broadcast_in_dim3A_167 = arith.constant 15 : i32
        %broadcast_in_dim3A_168 = vector.broadcast %broadcast_in_dim3A_167 : i32 to vector<16xi32>
        %gather3A_169 = tpu.vector_load_idx %arg11[%add3A_77, %broadcast_in_dim3A_168] : memref<400x48xf32, #tpu.memory_space<vmem>>[vector<16xi32>, vector<16xi32>], vector<16xf32>,
        %mul3A_170 = arith.mulf %gather3A_169, %gather3A_88 : vector<16xf32>
        %add3A_171 = arith.addf %add3A_166, %mul3A_170 : vector<16xf32>
        %broadcast_in_dim3A_172 = arith.constant 16 : i32
        %broadcast_in_dim3A_173 = vector.broadcast %broadcast_in_dim3A_172 : i32 to vector<16xi32>
        %gather3A_174 = tpu.vector_load_idx %arg11[%add3A_77, %broadcast_in_dim3A_173] : memref<400x48xf32, #tpu.memory_space<vmem>>[vector<16xi32>, vector<16xi32>], vector<16xf32>,
        %mul3A_175 = arith.mulf %gather3A_174, %gather3A_91 : vector<16xf32>
        %add3A_176 = arith.addf %add3A_171, %mul3A_175 : vector<16xf32>
        %mul3A_177 = arith.constant 16 : i32
        %mul3A_178 = arith.muli %scan3A_62, %mul3A_177 : i32
        %swap3A_179 = arith.constant 2 : i32
        %swap3A_180 = arith.index_cast %swap3A_179 : i32 to index
        %swap3A_181 = arith.index_cast %mul3A_178 : i32 to index
        %swap3A_182 = tpu.vector_load %arg12[%swap3A_180, %swap3A_181] {strides = array<i32>} : memref<8x400xf32, #tpu.memory_space<vmem>>, vector<16xf32>,
        tpu.vector_store %arg12[%swap3A_180, %swap3A_181], %add3A_176 {strides = array<i32>} : memref<8x400xf32, #tpu.memory_space<vmem>>, vector<16xf32>,
        %max3A_183 = arith.maximumf %scan3A_65, %add3A_176 : vector<16xf32>
        %broadcast_in_dim3A_184 = arith.constant 18 : i32
        %broadcast_in_dim3A_185 = vector.broadcast %broadcast_in_dim3A_184 : i32 to vector<16xi32>
        %gather3A_186 = tpu.vector_load_idx %arg11[%add3A_77, %broadcast_in_dim3A_185] : memref<400x48xf32, #tpu.memory_space<vmem>>[vector<16xi32>, vector<16xi32>], vector<16xf32>,
        %mul3A_187 = arith.mulf %gather3A_186, %gather3A : vector<16xf32>
        %broadcast_in_dim3A_188 = arith.constant 19 : i32
        %broadcast_in_dim3A_189 = vector.broadcast %broadcast_in_dim3A_188 : i32 to vector<16xi32>
        %gather3A_190 = tpu.vector_load_idx %arg11[%add3A_77, %broadcast_in_dim3A_189] : memref<400x48xf32, #tpu.memory_space<vmem>>[vector<16xi32>, vector<16xi32>], vector<16xf32>,
        %mul3A_191 = arith.mulf %gather3A_190, %gather3A_82 : vector<16xf32>
        %add3A_192 = arith.addf %mul3A_187, %mul3A_191 : vector<16xf32>
        %broadcast_in_dim3A_193 = arith.constant 20 : i32
        %broadcast_in_dim3A_194 = vector.broadcast %broadcast_in_dim3A_193 : i32 to vector<16xi32>
        %gather3A_195 = tpu.vector_load_idx %arg11[%add3A_77, %broadcast_in_dim3A_194] : memref<400x48xf32, #tpu.memory_space<vmem>>[vector<16xi32>, vector<16xi32>], vector<16xf32>,
        %mul3A_196 = arith.mulf %gather3A_195, %gather3A_85 : vector<16xf32>
        %add3A_197 = arith.addf %add3A_192, %mul3A_196 : vector<16xf32>
        %broadcast_in_dim3A_198 = arith.constant 21 : i32
        %broadcast_in_dim3A_199 = vector.broadcast %broadcast_in_dim3A_198 : i32 to vector<16xi32>
        %gather3A_200 = tpu.vector_load_idx %arg11[%add3A_77, %broadcast_in_dim3A_199] : memref<400x48xf32, #tpu.memory_space<vmem>>[vector<16xi32>, vector<16xi32>], vector<16xf32>,
        %mul3A_201 = arith.mulf %gather3A_200, %gather3A_88 : vector<16xf32>
        %add3A_202 = arith.addf %add3A_197, %mul3A_201 : vector<16xf32>
        %broadcast_in_dim3A_203 = arith.constant 22 : i32
        %broadcast_in_dim3A_204 = vector.broadcast %broadcast_in_dim3A_203 : i32 to vector<16xi32>
        %gather3A_205 = tpu.vector_load_idx %arg11[%add3A_77, %broadcast_in_dim3A_204] : memref<400x48xf32, #tpu.memory_space<vmem>>[vector<16xi32>, vector<16xi32>], vector<16xf32>,
        %mul3A_206 = arith.mulf %gather3A_205, %gather3A_91 : vector<16xf32>
        %add3A_207 = arith.addf %add3A_202, %mul3A_206 : vector<16xf32>
        %mul3A_208 = arith.constant 16 : i32
        %mul3A_209 = arith.muli %scan3A_62, %mul3A_208 : i32
        %swap3A_210 = arith.constant 3 : i32
        %swap3A_211 = arith.index_cast %swap3A_210 : i32 to index
        %swap3A_212 = arith.index_cast %mul3A_209 : i32 to index
        %swap3A_213 = tpu.vector_load %arg12[%swap3A_211, %swap3A_212] {strides = array<i32>} : memref<8x400xf32, #tpu.memory_space<vmem>>, vector<16xf32>,
        tpu.vector_store %arg12[%swap3A_211, %swap3A_212], %add3A_207 {strides = array<i32>} : memref<8x400xf32, #tpu.memory_space<vmem>>, vector<16xf32>,
        %max3A_214 = arith.maximumf %scan3A_66, %add3A_207 : vector<16xf32>
        %broadcast_in_dim3A_215 = arith.constant 24 : i32
        %broadcast_in_dim3A_216 = vector.broadcast %broadcast_in_dim3A_215 : i32 to vector<16xi32>
        %gather3A_217 = tpu.vector_load_idx %arg11[%add3A_77, %broadcast_in_dim3A_216] : memref<400x48xf32, #tpu.memory_space<vmem>>[vector<16xi32>, vector<16xi32>], vector<16xf32>,
        %mul3A_218 = arith.mulf %gather3A_217, %gather3A : vector<16xf32>
        %broadcast_in_dim3A_219 = arith.constant 25 : i32
        %broadcast_in_dim3A_220 = vector.broadcast %broadcast_in_dim3A_219 : i32 to vector<16xi32>
        %gather3A_221 = tpu.vector_load_idx %arg11[%add3A_77, %broadcast_in_dim3A_220] : memref<400x48xf32, #tpu.memory_space<vmem>>[vector<16xi32>, vector<16xi32>], vector<16xf32>,
        %mul3A_222 = arith.mulf %gather3A_221, %gather3A_82 : vector<16xf32>
        %add3A_223 = arith.addf %mul3A_218, %mul3A_222 : vector<16xf32>
        %broadcast_in_dim3A_224 = arith.constant 26 : i32
        %broadcast_in_dim3A_225 = vector.broadcast %broadcast_in_dim3A_224 : i32 to vector<16xi32>
        %gather3A_226 = tpu.vector_load_idx %arg11[%add3A_77, %broadcast_in_dim3A_225] : memref<400x48xf32, #tpu.memory_space<vmem>>[vector<16xi32>, vector<16xi32>], vector<16xf32>,
        %mul3A_227 = arith.mulf %gather3A_226, %gather3A_85 : vector<16xf32>
        %add3A_228 = arith.addf %add3A_223, %mul3A_227 : vector<16xf32>
        %broadcast_in_dim3A_229 = arith.constant 27 : i32
        %broadcast_in_dim3A_230 = vector.broadcast %broadcast_in_dim3A_229 : i32 to vector<16xi32>
        %gather3A_231 = tpu.vector_load_idx %arg11[%add3A_77, %broadcast_in_dim3A_230] : memref<400x48xf32, #tpu.memory_space<vmem>>[vector<16xi32>, vector<16xi32>], vector<16xf32>,
        %mul3A_232 = arith.mulf %gather3A_231, %gather3A_88 : vector<16xf32>
        %add3A_233 = arith.addf %add3A_228, %mul3A_232 : vector<16xf32>
        %broadcast_in_dim3A_234 = arith.constant 28 : i32
        %broadcast_in_dim3A_235 = vector.broadcast %broadcast_in_dim3A_234 : i32 to vector<16xi32>
        %gather3A_236 = tpu.vector_load_idx %arg11[%add3A_77, %broadcast_in_dim3A_235] : memref<400x48xf32, #tpu.memory_space<vmem>>[vector<16xi32>, vector<16xi32>], vector<16xf32>,
        %mul3A_237 = arith.mulf %gather3A_236, %gather3A_91 : vector<16xf32>
        %add3A_238 = arith.addf %add3A_233, %mul3A_237 : vector<16xf32>
        %mul3A_239 = arith.constant 16 : i32
        %mul3A_240 = arith.muli %scan3A_62, %mul3A_239 : i32
        %swap3A_241 = arith.constant 4 : i32
        %swap3A_242 = arith.index_cast %swap3A_241 : i32 to index
        %swap3A_243 = arith.index_cast %mul3A_240 : i32 to index
        %swap3A_244 = tpu.vector_load %arg12[%swap3A_242, %swap3A_243] {strides = array<i32>} : memref<8x400xf32, #tpu.memory_space<vmem>>, vector<16xf32>,
        tpu.vector_store %arg12[%swap3A_242, %swap3A_243], %add3A_238 {strides = array<i32>} : memref<8x400xf32, #tpu.memory_space<vmem>>, vector<16xf32>,
        %max3A_245 = arith.maximumf %scan3A_67, %add3A_238 : vector<16xf32>
        %broadcast_in_dim3A_246 = arith.constant 30 : i32
        %broadcast_in_dim3A_247 = vector.broadcast %broadcast_in_dim3A_246 : i32 to vector<16xi32>
        %gather3A_248 = tpu.vector_load_idx %arg11[%add3A_77, %broadcast_in_dim3A_247] : memref<400x48xf32, #tpu.memory_space<vmem>>[vector<16xi32>, vector<16xi32>], vector<16xf32>,
        %mul3A_249 = arith.mulf %gather3A_248, %gather3A : vector<16xf32>
        %broadcast_in_dim3A_250 = arith.constant 31 : i32
        %broadcast_in_dim3A_251 = vector.broadcast %broadcast_in_dim3A_250 : i32 to vector<16xi32>
        %gather3A_252 = tpu.vector_load_idx %arg11[%add3A_77, %broadcast_in_dim3A_251] : memref<400x48xf32, #tpu.memory_space<vmem>>[vector<16xi32>, vector<16xi32>], vector<16xf32>,
        %mul3A_253 = arith.mulf %gather3A_252, %gather3A_82 : vector<16xf32>
        %add3A_254 = arith.addf %mul3A_249, %mul3A_253 : vector<16xf32>
        %broadcast_in_dim3A_255 = arith.constant 32 : i32
        %broadcast_in_dim3A_256 = vector.broadcast %broadcast_in_dim3A_255 : i32 to vector<16xi32>
        %gather3A_257 = tpu.vector_load_idx %arg11[%add3A_77, %broadcast_in_dim3A_256] : memref<400x48xf32, #tpu.memory_space<vmem>>[vector<16xi32>, vector<16xi32>], vector<16xf32>,
        %mul3A_258 = arith.mulf %gather3A_257, %gather3A_85 : vector<16xf32>
        %add3A_259 = arith.addf %add3A_254, %mul3A_258 : vector<16xf32>
        %broadcast_in_dim3A_260 = arith.constant 33 : i32
        %broadcast_in_dim3A_261 = vector.broadcast %broadcast_in_dim3A_260 : i32 to vector<16xi32>
        %gather3A_262 = tpu.vector_load_idx %arg11[%add3A_77, %broadcast_in_dim3A_261] : memref<400x48xf32, #tpu.memory_space<vmem>>[vector<16xi32>, vector<16xi32>], vector<16xf32>,
        %mul3A_263 = arith.mulf %gather3A_262, %gather3A_88 : vector<16xf32>
        %add3A_264 = arith.addf %add3A_259, %mul3A_263 : vector<16xf32>
        %broadcast_in_dim3A_265 = arith.constant 34 : i32
        %broadcast_in_dim3A_266 = vector.broadcast %broadcast_in_dim3A_265 : i32 to vector<16xi32>
        %gather3A_267 = tpu.vector_load_idx %arg11[%add3A_77, %broadcast_in_dim3A_266] : memref<400x48xf32, #tpu.memory_space<vmem>>[vector<16xi32>, vector<16xi32>], vector<16xf32>,
        %mul3A_268 = arith.mulf %gather3A_267, %gather3A_91 : vector<16xf32>
        %add3A_269 = arith.addf %add3A_264, %mul3A_268 : vector<16xf32>
        %mul3A_270 = arith.constant 16 : i32
        %mul3A_271 = arith.muli %scan3A_62, %mul3A_270 : i32
        %swap3A_272 = arith.constant 5 : i32
        %swap3A_273 = arith.index_cast %swap3A_272 : i32 to index
        %swap3A_274 = arith.index_cast %mul3A_271 : i32 to index
        %swap3A_275 = tpu.vector_load %arg12[%swap3A_273, %swap3A_274] {strides = array<i32>} : memref<8x400xf32, #tpu.memory_space<vmem>>, vector<16xf32>,
        tpu.vector_store %arg12[%swap3A_273, %swap3A_274], %add3A_269 {strides = array<i32>} : memref<8x400xf32, #tpu.memory_space<vmem>>, vector<16xf32>,
        %max3A_276 = arith.maximumf %scan3A_68, %add3A_269 : vector<16xf32>
        %broadcast_in_dim3A_277 = arith.constant 36 : i32
        %broadcast_in_dim3A_278 = vector.broadcast %broadcast_in_dim3A_277 : i32 to vector<16xi32>
        %gather3A_279 = tpu.vector_load_idx %arg11[%add3A_77, %broadcast_in_dim3A_278] : memref<400x48xf32, #tpu.memory_space<vmem>>[vector<16xi32>, vector<16xi32>], vector<16xf32>,
        %mul3A_280 = arith.mulf %gather3A_279, %gather3A : vector<16xf32>
        %broadcast_in_dim3A_281 = arith.constant 37 : i32
        %broadcast_in_dim3A_282 = vector.broadcast %broadcast_in_dim3A_281 : i32 to vector<16xi32>
        %gather3A_283 = tpu.vector_load_idx %arg11[%add3A_77, %broadcast_in_dim3A_282] : memref<400x48xf32, #tpu.memory_space<vmem>>[vector<16xi32>, vector<16xi32>], vector<16xf32>,
        %mul3A_284 = arith.mulf %gather3A_283, %gather3A_82 : vector<16xf32>
        %add3A_285 = arith.addf %mul3A_280, %mul3A_284 : vector<16xf32>
        %broadcast_in_dim3A_286 = arith.constant 38 : i32
        %broadcast_in_dim3A_287 = vector.broadcast %broadcast_in_dim3A_286 : i32 to vector<16xi32>
        %gather3A_288 = tpu.vector_load_idx %arg11[%add3A_77, %broadcast_in_dim3A_287] : memref<400x48xf32, #tpu.memory_space<vmem>>[vector<16xi32>, vector<16xi32>], vector<16xf32>,
        %mul3A_289 = arith.mulf %gather3A_288, %gather3A_85 : vector<16xf32>
        %add3A_290 = arith.addf %add3A_285, %mul3A_289 : vector<16xf32>
        %broadcast_in_dim3A_291 = arith.constant 39 : i32
        %broadcast_in_dim3A_292 = vector.broadcast %broadcast_in_dim3A_291 : i32 to vector<16xi32>
        %gather3A_293 = tpu.vector_load_idx %arg11[%add3A_77, %broadcast_in_dim3A_292] : memref<400x48xf32, #tpu.memory_space<vmem>>[vector<16xi32>, vector<16xi32>], vector<16xf32>,
        %mul3A_294 = arith.mulf %gather3A_293, %gather3A_88 : vector<16xf32>
        %add3A_295 = arith.addf %add3A_290, %mul3A_294 : vector<16xf32>
        %broadcast_in_dim3A_296 = arith.constant 40 : i32
        %broadcast_in_dim3A_297 = vector.broadcast %broadcast_in_dim3A_296 : i32 to vector<16xi32>
        %gather3A_298 = tpu.vector_load_idx %arg11[%add3A_77, %broadcast_in_dim3A_297] : memref<400x48xf32, #tpu.memory_space<vmem>>[vector<16xi32>, vector<16xi32>], vector<16xf32>,
        %mul3A_299 = arith.mulf %gather3A_298, %gather3A_91 : vector<16xf32>
        %add3A_300 = arith.addf %add3A_295, %mul3A_299 : vector<16xf32>
        %mul3A_301 = arith.constant 16 : i32
        %mul3A_302 = arith.muli %scan3A_62, %mul3A_301 : i32
        %swap3A_303 = arith.constant 6 : i32
        %swap3A_304 = arith.index_cast %swap3A_303 : i32 to index
        %swap3A_305 = arith.index_cast %mul3A_302 : i32 to index
        %swap3A_306 = tpu.vector_load %arg12[%swap3A_304, %swap3A_305] {strides = array<i32>} : memref<8x400xf32, #tpu.memory_space<vmem>>, vector<16xf32>,
        tpu.vector_store %arg12[%swap3A_304, %swap3A_305], %add3A_300 {strides = array<i32>} : memref<8x400xf32, #tpu.memory_space<vmem>>, vector<16xf32>,
        %max3A_307 = arith.maximumf %scan3A_69, %add3A_300 : vector<16xf32>
        %broadcast_in_dim3A_308 = arith.constant 42 : i32
        %broadcast_in_dim3A_309 = vector.broadcast %broadcast_in_dim3A_308 : i32 to vector<16xi32>
        %gather3A_310 = tpu.vector_load_idx %arg11[%add3A_77, %broadcast_in_dim3A_309] : memref<400x48xf32, #tpu.memory_space<vmem>>[vector<16xi32>, vector<16xi32>], vector<16xf32>,
        %mul3A_311 = arith.mulf %gather3A_310, %gather3A : vector<16xf32>
        %broadcast_in_dim3A_312 = arith.constant 43 : i32
        %broadcast_in_dim3A_313 = vector.broadcast %broadcast_in_dim3A_312 : i32 to vector<16xi32>
        %gather3A_314 = tpu.vector_load_idx %arg11[%add3A_77, %broadcast_in_dim3A_313] : memref<400x48xf32, #tpu.memory_space<vmem>>[vector<16xi32>, vector<16xi32>], vector<16xf32>,
        %mul3A_315 = arith.mulf %gather3A_314, %gather3A_82 : vector<16xf32>
        %add3A_316 = arith.addf %mul3A_311, %mul3A_315 : vector<16xf32>
        %broadcast_in_dim3A_317 = arith.constant 44 : i32
        %broadcast_in_dim3A_318 = vector.broadcast %broadcast_in_dim3A_317 : i32 to vector<16xi32>
        %gather3A_319 = tpu.vector_load_idx %arg11[%add3A_77, %broadcast_in_dim3A_318] : memref<400x48xf32, #tpu.memory_space<vmem>>[vector<16xi32>, vector<16xi32>], vector<16xf32>,
        %mul3A_320 = arith.mulf %gather3A_319, %gather3A_85 : vector<16xf32>
        %add3A_321 = arith.addf %add3A_316, %mul3A_320 : vector<16xf32>
        %broadcast_in_dim3A_322 = arith.constant 45 : i32
        %broadcast_in_dim3A_323 = vector.broadcast %broadcast_in_dim3A_322 : i32 to vector<16xi32>
        %gather3A_324 = tpu.vector_load_idx %arg11[%add3A_77, %broadcast_in_dim3A_323] : memref<400x48xf32, #tpu.memory_space<vmem>>[vector<16xi32>, vector<16xi32>], vector<16xf32>,
        %mul3A_325 = arith.mulf %gather3A_324, %gather3A_88 : vector<16xf32>
        %add3A_326 = arith.addf %add3A_321, %mul3A_325 : vector<16xf32>
        %broadcast_in_dim3A_327 = arith.constant 46 : i32
        %broadcast_in_dim3A_328 = vector.broadcast %broadcast_in_dim3A_327 : i32 to vector<16xi32>
        %gather3A_329 = tpu.vector_load_idx %arg11[%add3A_77, %broadcast_in_dim3A_328] : memref<400x48xf32, #tpu.memory_space<vmem>>[vector<16xi32>, vector<16xi32>], vector<16xf32>,
        %mul3A_330 = arith.mulf %gather3A_329, %gather3A_91 : vector<16xf32>
        %add3A_331 = arith.addf %add3A_326, %mul3A_330 : vector<16xf32>
        %mul3A_332 = arith.constant 16 : i32
        %mul3A_333 = arith.muli %scan3A_62, %mul3A_332 : i32
        %swap3A_334 = arith.constant 7 : i32
        %swap3A_335 = arith.index_cast %swap3A_334 : i32 to index
        %swap3A_336 = arith.index_cast %mul3A_333 : i32 to index
        %swap3A_337 = tpu.vector_load %arg12[%swap3A_335, %swap3A_336] {strides = array<i32>} : memref<8x400xf32, #tpu.memory_space<vmem>>, vector<16xf32>,
        tpu.vector_store %arg12[%swap3A_335, %swap3A_336], %add3A_331 {strides = array<i32>} : memref<8x400xf32, #tpu.memory_space<vmem>>, vector<16xf32>,
        %max3A_338 = arith.maximumf %scan3A_70, %add3A_331 : vector<16xf32>
        scf.yield %max3A, %max3A_152, %max3A_183, %max3A_214, %max3A_245, %max3A_276, %max3A_307, %max3A_338 : vector<16xf32>, vector<16xf32>, vector<16xf32>, vector<16xf32>, vector<16xf32>, vector<16xf32>, vector<16xf32>, vector<16xf32>
      }
      %scan3A_61 = arith.constant 25 : i32
      "tpu.region"() ({
        %run_scoped3A = tpu.sem_alloc : memref<!tpu.dma_semaphore, #tpu.memory_space<semaphore_mem>>
        %dma_start3A_62 = arith.constant 0 : i32
        %dma_start3A_63 = arith.constant 0 : i32
        %dma_start3A_64 = tpu.memref_slice %arg6[%add3A, %scan3A_38, %dma_start3A_62, %dma_start3A_63] : memref<32x50x8x400xf32, #tpu.memory_space<hbm>> -> memref<1x1x8x400xf32, #tpu.memory_space<hbm>>
        %dma_start3A_65 = tpu.memref_squeeze %dma_start3A_64 : memref<1x1x8x400xf32, #tpu.memory_space<hbm>> -> memref<8x400xf32, #tpu.memory_space<hbm>>
        %dma_start3A_66 = arith.constant 0 : i32
        %dma_start3A_67 = arith.constant 0 : i32
        %dma_start3A_68 = tpu.memref_slice %arg6[%add3A, %scan3A_38, %dma_start3A_66, %dma_start3A_67] : memref<32x50x8x400xf32, #tpu.memory_space<hbm>> -> memref<1x1x8x400xf32, #tpu.memory_space<hbm>>
        %dma_start3A_69 = tpu.memref_squeeze %dma_start3A_68 : memref<1x1x8x400xf32, #tpu.memory_space<hbm>> -> memref<8x400xf32, #tpu.memory_space<hbm>>
        tpu.enqueue_dma source(%arg12 : memref<8x400xf32, #tpu.memory_space<vmem>>) target(%dma_start3A_69 : memref<8x400xf32, #tpu.memory_space<hbm>>) target_semaphore(%run_scoped3A : memref<!tpu.dma_semaphore, #tpu.memory_space<semaphore_mem>>)
        %dma_wait3A_70 = arith.constant 0 : i32
        %dma_wait3A_71 = arith.constant 0 : i32
        %dma_wait3A_72 = tpu.memref_slice %arg6[%add3A, %scan3A_38, %dma_wait3A_70, %dma_wait3A_71] : memref<32x50x8x400xf32, #tpu.memory_space<hbm>> -> memref<1x1x8x400xf32, #tpu.memory_space<hbm>>
        %dma_wait3A_73 = tpu.memref_squeeze %dma_wait3A_72 : memref<1x1x8x400xf32, #tpu.memory_space<hbm>> -> memref<8x400xf32, #tpu.memory_space<hbm>>
        %dma_wait3A_74 = arith.constant 0 : i32
        %dma_wait3A_75 = arith.constant 0 : i32
        %dma_wait3A_76 = tpu.memref_slice %arg6[%add3A, %scan3A_38, %dma_wait3A_74, %dma_wait3A_75] : memref<32x50x8x400xf32, #tpu.memory_space<hbm>> -> memref<1x1x8x400xf32, #tpu.memory_space<hbm>>
        %dma_wait3A_77 = tpu.memref_squeeze %dma_wait3A_76 : memref<1x1x8x400xf32, #tpu.memory_space<hbm>> -> memref<8x400xf32, #tpu.memory_space<hbm>>
        tpu.wait_dma2 semaphore(%run_scoped3A : memref<!tpu.dma_semaphore, #tpu.memory_space<semaphore_mem>>) src(%arg12 : memref<8x400xf32, #tpu.memory_space<vmem>>) dst(%dma_wait3A_77 : memref<8x400xf32, #tpu.memory_space<hbm>>)
        tpu.yield
      }) : () -> ()
      scf.yield %scan3A_60#0, %scan3A_60#1, %scan3A_60#2, %scan3A_60#3, %scan3A_60#4, %scan3A_60#5, %scan3A_60#6, %scan3A_60#7 : vector<16xf32>, vector<16xf32>, vector<16xf32>, vector<16xf32>, vector<16xf32>, vector<16xf32>, vector<16xf32>, vector<16xf32>
    }
    %scan3A_6 = arith.constant 50 : i32
    %swap3A = arith.constant 0 : i32
    %swap3A_7 = arith.index_cast %swap3A : i32 to index
    %swap3A_8 = arith.constant 0 : index
    %swap3A_9 = tpu.vector_load %arg13[%swap3A_7, %swap3A_8] {strides = array<i32>} : memref<8x16xf32, #tpu.memory_space<vmem>>, vector<16xf32>,
    tpu.vector_store %arg13[%swap3A_7, %swap3A_8], %scan3A_5#0 {strides = array<i32>} : memref<8x16xf32, #tpu.memory_space<vmem>>, vector<16xf32>,
    %swap3A_10 = arith.constant 1 : i32
    %swap3A_11 = arith.index_cast %swap3A_10 : i32 to index
    %swap3A_12 = arith.constant 0 : index
    %swap3A_13 = tpu.vector_load %arg13[%swap3A_11, %swap3A_12] {strides = array<i32>} : memref<8x16xf32, #tpu.memory_space<vmem>>, vector<16xf32>,
    tpu.vector_store %arg13[%swap3A_11, %swap3A_12], %scan3A_5#1 {strides = array<i32>} : memref<8x16xf32, #tpu.memory_space<vmem>>, vector<16xf32>,
    %swap3A_14 = arith.constant 2 : i32
    %swap3A_15 = arith.index_cast %swap3A_14 : i32 to index
    %swap3A_16 = arith.constant 0 : index
    %swap3A_17 = tpu.vector_load %arg13[%swap3A_15, %swap3A_16] {strides = array<i32>} : memref<8x16xf32, #tpu.memory_space<vmem>>, vector<16xf32>,
    tpu.vector_store %arg13[%swap3A_15, %swap3A_16], %scan3A_5#2 {strides = array<i32>} : memref<8x16xf32, #tpu.memory_space<vmem>>, vector<16xf32>,
    %swap3A_18 = arith.constant 3 : i32
    %swap3A_19 = arith.index_cast %swap3A_18 : i32 to index
    %swap3A_20 = arith.constant 0 : index
    %swap3A_21 = tpu.vector_load %arg13[%swap3A_19, %swap3A_20] {strides = array<i32>} : memref<8x16xf32, #tpu.memory_space<vmem>>, vector<16xf32>,
    tpu.vector_store %arg13[%swap3A_19, %swap3A_20], %scan3A_5#3 {strides = array<i32>} : memref<8x16xf32, #tpu.memory_space<vmem>>, vector<16xf32>,
    %swap3A_22 = arith.constant 4 : i32
    %swap3A_23 = arith.index_cast %swap3A_22 : i32 to index
    %swap3A_24 = arith.constant 0 : index
    %swap3A_25 = tpu.vector_load %arg13[%swap3A_23, %swap3A_24] {strides = array<i32>} : memref<8x16xf32, #tpu.memory_space<vmem>>, vector<16xf32>,
    tpu.vector_store %arg13[%swap3A_23, %swap3A_24], %scan3A_5#4 {strides = array<i32>} : memref<8x16xf32, #tpu.memory_space<vmem>>, vector<16xf32>,
    %swap3A_26 = arith.constant 5 : i32
    %swap3A_27 = arith.index_cast %swap3A_26 : i32 to index
    %swap3A_28 = arith.constant 0 : index
    %swap3A_29 = tpu.vector_load %arg13[%swap3A_27, %swap3A_28] {strides = array<i32>} : memref<8x16xf32, #tpu.memory_space<vmem>>, vector<16xf32>,
    tpu.vector_store %arg13[%swap3A_27, %swap3A_28], %scan3A_5#5 {strides = array<i32>} : memref<8x16xf32, #tpu.memory_space<vmem>>, vector<16xf32>,
    %swap3A_30 = arith.constant 6 : i32
    %swap3A_31 = arith.index_cast %swap3A_30 : i32 to index
    %swap3A_32 = arith.constant 0 : index
    %swap3A_33 = tpu.vector_load %arg13[%swap3A_31, %swap3A_32] {strides = array<i32>} : memref<8x16xf32, #tpu.memory_space<vmem>>, vector<16xf32>,
    tpu.vector_store %arg13[%swap3A_31, %swap3A_32], %scan3A_5#6 {strides = array<i32>} : memref<8x16xf32, #tpu.memory_space<vmem>>, vector<16xf32>,
    %swap3A_34 = arith.constant 7 : i32
    %swap3A_35 = arith.index_cast %swap3A_34 : i32 to index
    %swap3A_36 = arith.constant 0 : index
    %swap3A_37 = tpu.vector_load %arg13[%swap3A_35, %swap3A_36] {strides = array<i32>} : memref<8x16xf32, #tpu.memory_space<vmem>>, vector<16xf32>,
    tpu.vector_store %arg13[%swap3A_35, %swap3A_36], %scan3A_5#7 {strides = array<i32>} : memref<8x16xf32, #tpu.memory_space<vmem>>, vector<16xf32>,
    "tpu.region"() ({
      %run_scoped3A = tpu.sem_alloc : memref<!tpu.dma_semaphore, #tpu.memory_space<semaphore_mem>>
      %dma_start3A = arith.constant 0 : i32
      %dma_start3A_38 = arith.constant 0 : i32
      %dma_start3A_39 = tpu.memref_slice %arg7[%add3A, %dma_start3A, %dma_start3A_38] : memref<32x8x16xf32, #tpu.memory_space<hbm>> -> memref<1x8x16xf32, #tpu.memory_space<hbm>>
      %dma_start3A_40 = tpu.memref_squeeze %dma_start3A_39 : memref<1x8x16xf32, #tpu.memory_space<hbm>> -> memref<8x16xf32, #tpu.memory_space<hbm>>
      %dma_start3A_41 = arith.constant 0 : i32
      %dma_start3A_42 = arith.constant 0 : i32
      %dma_start3A_43 = tpu.memref_slice %arg7[%add3A, %dma_start3A_41, %dma_start3A_42] : memref<32x8x16xf32, #tpu.memory_space<hbm>> -> memref<1x8x16xf32, #tpu.memory_space<hbm>>
      %dma_start3A_44 = tpu.memref_squeeze %dma_start3A_43 : memref<1x8x16xf32, #tpu.memory_space<hbm>> -> memref<8x16xf32, #tpu.memory_space<hbm>>
      tpu.enqueue_dma source(%arg13 : memref<8x16xf32, #tpu.memory_space<vmem>>) target(%dma_start3A_44 : memref<8x16xf32, #tpu.memory_space<hbm>>) target_semaphore(%run_scoped3A : memref<!tpu.dma_semaphore, #tpu.memory_space<semaphore_mem>>)
      %dma_wait3A = arith.constant 0 : i32
      %dma_wait3A_45 = arith.constant 0 : i32
      %dma_wait3A_46 = tpu.memref_slice %arg7[%add3A, %dma_wait3A, %dma_wait3A_45] : memref<32x8x16xf32, #tpu.memory_space<hbm>> -> memref<1x8x16xf32, #tpu.memory_space<hbm>>
      %dma_wait3A_47 = tpu.memref_squeeze %dma_wait3A_46 : memref<1x8x16xf32, #tpu.memory_space<hbm>> -> memref<8x16xf32, #tpu.memory_space<hbm>>
      %dma_wait3A_48 = arith.constant 0 : i32
      %dma_wait3A_49 = arith.constant 0 : i32
      %dma_wait3A_50 = tpu.memref_slice %arg7[%add3A, %dma_wait3A_48, %dma_wait3A_49] : memref<32x8x16xf32, #tpu.memory_space<hbm>> -> memref<1x8x16xf32, #tpu.memory_space<hbm>>
      %dma_wait3A_51 = tpu.memref_squeeze %dma_wait3A_50 : memref<1x8x16xf32, #tpu.memory_space<hbm>> -> memref<8x16xf32, #tpu.memory_space<hbm>>
      tpu.wait_dma2 semaphore(%run_scoped3A : memref<!tpu.dma_semaphore, #tpu.memory_space<semaphore_mem>>) src(%arg13 : memref<8x16xf32, #tpu.memory_space<vmem>>) dst(%dma_wait3A_51 : memref<8x16xf32, #tpu.memory_space<hbm>>)
      tpu.yield
    }) : () -> ()
    return
  }
}

#map = affine_map<(d0, d1) -> (0, 0, 0, 0)>
#map1 = affine_map<(d0, d1) -> (0, 0)>
#map2 = affine_map<(d0, d1) -> (0)>
#map3 = affine_map<(d0, d1) -> (0, 0, 0)>
module attributes {stable_mosaic.version = 14 : i64} {
  func.func @_aggregate_kernel(%arg0: i32, %arg1: i32, %arg2: memref<32x50x8x400xf32, #tpu.memory_space<hbm>>, %arg3: memref<8x16xf32, #tpu.memory_space<hbm>>, %arg4: memref<10000x16xf32, #tpu.memory_space<hbm>>, %arg5: memref<640000xi32, #tpu.memory_space<hbm>>, %arg6: memref<640000xi32, #tpu.memory_space<hbm>>, %arg7: memref<10000x48xf32, #tpu.memory_space<hbm>>, %arg8: memref<2x10000x48xf32, #tpu.memory_space<hbm>>, %arg9: memref<400xi32, #tpu.memory_space<vmem>>, %arg10: memref<400xi32, #tpu.memory_space<vmem>>, %arg11: memref<8x400xf32, #tpu.memory_space<vmem>>, %arg12: memref<400x48xf32, #tpu.memory_space<vmem>>, %arg13: memref<400x16xf32, #tpu.memory_space<vmem>>, %arg14: memref<8x16xf32, #tpu.memory_space<vmem>>, %arg15: memref<10000x48xf32, #tpu.memory_space<vmem_shared>>, %arg16: memref<!tpu.dma_semaphore, #tpu.memory_space<semaphore_mem>>) attributes {dimension_semantics = [#tpu.dimension_semantics<core_parallel>, #tpu.dimension_semantics<subcore_parallel>], iteration_bounds = array<i64: 2, 16>, scalar_prefetch = 0 : i64, scratch_operands = 8 : i64, tpu.core_type = #tpu.core_type<sc_vector_subcore>, window_params = [{transform_indices = #map}, {transform_indices = #map1}, {transform_indices = #map1}, {transform_indices = #map2}, {transform_indices = #map2}, {transform_indices = #map1}, {transform_indices = #map3}]} {
    %mul3A = arith.constant 2 : i32
    %mul3A_0 = arith.muli %arg1, %mul3A : i32
    %add3A = arith.addi %mul3A_0, %arg0 : i32
    "tpu.region"() ({
      %run_scoped3A = tpu.sem_alloc : memref<!tpu.dma_semaphore, #tpu.memory_space<semaphore_mem>>
      tpu.enqueue_dma source(%arg3 : memref<8x16xf32, #tpu.memory_space<hbm>>) target(%arg14 : memref<8x16xf32, #tpu.memory_space<vmem>>) target_semaphore(%run_scoped3A : memref<!tpu.dma_semaphore, #tpu.memory_space<semaphore_mem>>)
      tpu.wait_dma2 semaphore(%run_scoped3A : memref<!tpu.dma_semaphore, #tpu.memory_space<semaphore_mem>>) src(%arg3 : memref<8x16xf32, #tpu.memory_space<hbm>>) dst(%arg14 : memref<8x16xf32, #tpu.memory_space<vmem>>)
      tpu.yield
    }) : () -> ()
    %mul3A_1 = arith.constant 625 : i32
    %mul3A_2 = arith.muli %arg1, %mul3A_1 : i32
    "tpu.region"() ({
      %run_scoped3A = tpu.sem_alloc : memref<!tpu.dma_semaphore, #tpu.memory_space<semaphore_mem>>
      %dma_start3A = arith.constant 0 : i32
      %dma_start3A_9 = tpu.memref_slice %arg15[%mul3A_2, %dma_start3A] : memref<10000x48xf32, #tpu.memory_space<vmem_shared>> -> memref<625x48xf32, #tpu.memory_space<vmem_shared>>
      %dma_start3A_10 = arith.constant 0 : i32
      %dma_start3A_11 = tpu.memref_slice %arg7[%mul3A_2, %dma_start3A_10] : memref<10000x48xf32, #tpu.memory_space<hbm>> -> memref<625x48xf32, #tpu.memory_space<hbm>>
      tpu.enqueue_dma source(%dma_start3A_11 : memref<625x48xf32, #tpu.memory_space<hbm>>) target(%dma_start3A_9 : memref<625x48xf32, #tpu.memory_space<vmem_shared>>) target_semaphore(%run_scoped3A : memref<!tpu.dma_semaphore, #tpu.memory_space<semaphore_mem>>)
      %dma_wait3A = arith.constant 0 : i32
      %dma_wait3A_12 = tpu.memref_slice %arg15[%mul3A_2, %dma_wait3A] : memref<10000x48xf32, #tpu.memory_space<vmem_shared>> -> memref<625x48xf32, #tpu.memory_space<vmem_shared>>
      %dma_wait3A_13 = arith.constant 0 : i32
      %dma_wait3A_14 = tpu.memref_slice %arg7[%mul3A_2, %dma_wait3A_13] : memref<10000x48xf32, #tpu.memory_space<hbm>> -> memref<625x48xf32, #tpu.memory_space<hbm>>
      tpu.wait_dma2 semaphore(%run_scoped3A : memref<!tpu.dma_semaphore, #tpu.memory_space<semaphore_mem>>) src(%dma_wait3A_14 : memref<625x48xf32, #tpu.memory_space<hbm>>) dst(%dma_wait3A_12 : memref<625x48xf32, #tpu.memory_space<vmem_shared>>)
      tpu.yield
    }) : () -> ()
    %barrier3A = arith.constant 0 : index
    tpu.barrier barrier_id(%barrier3A)
    %iota3A = tpu.iota {dimensions = array<i32: 0>} : vector<16xi32>
    %scan3A = arith.constant 0 : i32
    %scan3A_3 = arith.constant 0 : i32
    %scan3A_4 = arith.constant 50 : i32
    %scan3A_5 = arith.addi %scan3A_3, %scan3A_4 : i32
    %scan3A_6 = arith.constant 1 : i32
    scf.for %scan3A_9 = %scan3A_3 to %scan3A_5 step %scan3A_6  : i32 {
      %mul3A_10 = arith.constant 20000 : i32
      %mul3A_11 = arith.muli %add3A, %mul3A_10 : i32
      %mul3A_12 = arith.constant 400 : i32
      %mul3A_13 = arith.muli %scan3A_9, %mul3A_12 : i32
      %add3A_14 = arith.addi %mul3A_11, %mul3A_13 : i32
      "tpu.region"() ({
        %run_scoped3A = tpu.sem_alloc : memref<!tpu.dma_semaphore, #tpu.memory_space<semaphore_mem>>
        %dma_start3A_25 = tpu.memref_slice %arg5[%add3A_14] : memref<640000xi32, #tpu.memory_space<hbm>> -> memref<400xi32, #tpu.memory_space<hbm>>
        %dma_start3A_26 = tpu.memref_slice %arg5[%add3A_14] : memref<640000xi32, #tpu.memory_space<hbm>> -> memref<400xi32, #tpu.memory_space<hbm>>
        tpu.enqueue_dma source(%dma_start3A_26 : memref<400xi32, #tpu.memory_space<hbm>>) target(%arg9 : memref<400xi32, #tpu.memory_space<vmem>>) target_semaphore(%run_scoped3A : memref<!tpu.dma_semaphore, #tpu.memory_space<semaphore_mem>>)
        %dma_wait3A_27 = tpu.memref_slice %arg5[%add3A_14] : memref<640000xi32, #tpu.memory_space<hbm>> -> memref<400xi32, #tpu.memory_space<hbm>>
        %dma_wait3A_28 = tpu.memref_slice %arg5[%add3A_14] : memref<640000xi32, #tpu.memory_space<hbm>> -> memref<400xi32, #tpu.memory_space<hbm>>
        tpu.wait_dma2 semaphore(%run_scoped3A : memref<!tpu.dma_semaphore, #tpu.memory_space<semaphore_mem>>) src(%dma_wait3A_28 : memref<400xi32, #tpu.memory_space<hbm>>) dst(%arg9 : memref<400xi32, #tpu.memory_space<vmem>>)
        tpu.yield
      }) : () -> ()
      "tpu.region"() ({
        %run_scoped3A = tpu.sem_alloc : memref<!tpu.dma_semaphore, #tpu.memory_space<semaphore_mem>>
        %dma_start3A_25 = tpu.memref_slice %arg6[%add3A_14] : memref<640000xi32, #tpu.memory_space<hbm>> -> memref<400xi32, #tpu.memory_space<hbm>>
        %dma_start3A_26 = tpu.memref_slice %arg6[%add3A_14] : memref<640000xi32, #tpu.memory_space<hbm>> -> memref<400xi32, #tpu.memory_space<hbm>>
        tpu.enqueue_dma source(%dma_start3A_26 : memref<400xi32, #tpu.memory_space<hbm>>) target(%arg10 : memref<400xi32, #tpu.memory_space<vmem>>) target_semaphore(%run_scoped3A : memref<!tpu.dma_semaphore, #tpu.memory_space<semaphore_mem>>)
        %dma_wait3A_27 = tpu.memref_slice %arg6[%add3A_14] : memref<640000xi32, #tpu.memory_space<hbm>> -> memref<400xi32, #tpu.memory_space<hbm>>
        %dma_wait3A_28 = tpu.memref_slice %arg6[%add3A_14] : memref<640000xi32, #tpu.memory_space<hbm>> -> memref<400xi32, #tpu.memory_space<hbm>>
        tpu.wait_dma2 semaphore(%run_scoped3A : memref<!tpu.dma_semaphore, #tpu.memory_space<semaphore_mem>>) src(%dma_wait3A_28 : memref<400xi32, #tpu.memory_space<hbm>>) dst(%arg10 : memref<400xi32, #tpu.memory_space<vmem>>)
        tpu.yield
      }) : () -> ()
      "tpu.region"() ({
        %run_scoped3A = tpu.sem_alloc : memref<!tpu.dma_semaphore, #tpu.memory_space<semaphore_mem>>
        %dma_start3A_25 = arith.constant 0 : i32
        %dma_start3A_26 = arith.constant 0 : i32
        %dma_start3A_27 = tpu.memref_slice %arg2[%add3A, %scan3A_9, %dma_start3A_25, %dma_start3A_26] : memref<32x50x8x400xf32, #tpu.memory_space<hbm>> -> memref<1x1x8x400xf32, #tpu.memory_space<hbm>>
        %dma_start3A_28 = tpu.memref_squeeze %dma_start3A_27 : memref<1x1x8x400xf32, #tpu.memory_space<hbm>> -> memref<8x400xf32, #tpu.memory_space<hbm>>
        %dma_start3A_29 = arith.constant 0 : i32
        %dma_start3A_30 = arith.constant 0 : i32
        %dma_start3A_31 = tpu.memref_slice %arg2[%add3A, %scan3A_9, %dma_start3A_29, %dma_start3A_30] : memref<32x50x8x400xf32, #tpu.memory_space<hbm>> -> memref<1x1x8x400xf32, #tpu.memory_space<hbm>>
        %dma_start3A_32 = tpu.memref_squeeze %dma_start3A_31 : memref<1x1x8x400xf32, #tpu.memory_space<hbm>> -> memref<8x400xf32, #tpu.memory_space<hbm>>
        tpu.enqueue_dma source(%dma_start3A_32 : memref<8x400xf32, #tpu.memory_space<hbm>>) target(%arg11 : memref<8x400xf32, #tpu.memory_space<vmem>>) target_semaphore(%run_scoped3A : memref<!tpu.dma_semaphore, #tpu.memory_space<semaphore_mem>>)
        %dma_wait3A_33 = arith.constant 0 : i32
        %dma_wait3A_34 = arith.constant 0 : i32
        %dma_wait3A_35 = tpu.memref_slice %arg2[%add3A, %scan3A_9, %dma_wait3A_33, %dma_wait3A_34] : memref<32x50x8x400xf32, #tpu.memory_space<hbm>> -> memref<1x1x8x400xf32, #tpu.memory_space<hbm>>
        %dma_wait3A_36 = tpu.memref_squeeze %dma_wait3A_35 : memref<1x1x8x400xf32, #tpu.memory_space<hbm>> -> memref<8x400xf32, #tpu.memory_space<hbm>>
        %dma_wait3A_37 = arith.constant 0 : i32
        %dma_wait3A_38 = arith.constant 0 : i32
        %dma_wait3A_39 = tpu.memref_slice %arg2[%add3A, %scan3A_9, %dma_wait3A_37, %dma_wait3A_38] : memref<32x50x8x400xf32, #tpu.memory_space<hbm>> -> memref<1x1x8x400xf32, #tpu.memory_space<hbm>>
        %dma_wait3A_40 = tpu.memref_squeeze %dma_wait3A_39 : memref<1x1x8x400xf32, #tpu.memory_space<hbm>> -> memref<8x400xf32, #tpu.memory_space<hbm>>
        tpu.wait_dma2 semaphore(%run_scoped3A : memref<!tpu.dma_semaphore, #tpu.memory_space<semaphore_mem>>) src(%dma_wait3A_40 : memref<8x400xf32, #tpu.memory_space<hbm>>) dst(%arg11 : memref<8x400xf32, #tpu.memory_space<vmem>>)
        tpu.yield
      }) : () -> ()
      %dma_start3A = arith.constant 0 : i32
      %dma_start3A_15 = arith.constant 0 : i32
      %dma_start3A_16 = tpu.memref_slice %arg4[%dma_start3A, %dma_start3A_15] : memref<10000x16xf32, #tpu.memory_space<hbm>> -> memref<10000x16xf32, #tpu.memory_space<hbm>>
      tpu.enqueue_indirect_dma source(%dma_start3A_16 : memref<10000x16xf32, #tpu.memory_space<hbm>>) target(%arg13 : memref<400x16xf32, #tpu.memory_space<vmem>>) offsets(%arg9 : memref<400xi32, #tpu.memory_space<vmem>>) semaphore(%arg16 : memref<!tpu.dma_semaphore, #tpu.memory_space<semaphore_mem>>)
      %dma_wait3A = arith.constant 0 : i32
      %dma_wait3A_17 = arith.constant 0 : i32
      %dma_wait3A_18 = tpu.memref_slice %arg4[%dma_wait3A, %dma_wait3A_17] : memref<10000x16xf32, #tpu.memory_space<hbm>> -> memref<10000x16xf32, #tpu.memory_space<hbm>>
      tpu.wait_indirect_dma semaphore(%arg16 : memref<!tpu.dma_semaphore, #tpu.memory_space<semaphore_mem>>) src(%dma_wait3A_18 : memref<10000x16xf32, #tpu.memory_space<hbm>>) dst(%arg13 : memref<400x16xf32, #tpu.memory_space<vmem>>)
      %scan3A_19 = arith.constant 0 : i32
      %scan3A_20 = arith.constant 0 : i32
      %scan3A_21 = arith.constant 25 : i32
      %scan3A_22 = arith.addi %scan3A_20, %scan3A_21 : i32
      %scan3A_23 = arith.constant 1 : i32
      scf.for %scan3A_25 = %scan3A_20 to %scan3A_22 step %scan3A_23  : i32 {
        %mul3A_26 = arith.constant 16 : i32
        %mul3A_27 = arith.muli %scan3A_25, %mul3A_26 : i32
        %add3A_28 = vector.broadcast %mul3A_27 : i32 to vector<16xi32>
        %add3A_29 = arith.addi %iota3A, %add3A_28 : vector<16xi32>
        %broadcast_in_dim3A = arith.constant 0 : i32
        %broadcast_in_dim3A_30 = vector.broadcast %broadcast_in_dim3A : i32 to vector<16xi32>
        %gather3A = tpu.vector_load_idx %arg13[%add3A_29, %broadcast_in_dim3A_30] : memref<400x16xf32, #tpu.memory_space<vmem>>[vector<16xi32>, vector<16xi32>], vector<16xf32>,
        %broadcast_in_dim3A_31 = arith.constant 1 : i32
        %broadcast_in_dim3A_32 = vector.broadcast %broadcast_in_dim3A_31 : i32 to vector<16xi32>
        %gather3A_33 = tpu.vector_load_idx %arg13[%add3A_29, %broadcast_in_dim3A_32] : memref<400x16xf32, #tpu.memory_space<vmem>>[vector<16xi32>, vector<16xi32>], vector<16xf32>,
        %broadcast_in_dim3A_34 = arith.constant 2 : i32
        %broadcast_in_dim3A_35 = vector.broadcast %broadcast_in_dim3A_34 : i32 to vector<16xi32>
        %gather3A_36 = tpu.vector_load_idx %arg13[%add3A_29, %broadcast_in_dim3A_35] : memref<400x16xf32, #tpu.memory_space<vmem>>[vector<16xi32>, vector<16xi32>], vector<16xf32>,
        %broadcast_in_dim3A_37 = arith.constant 3 : i32
        %broadcast_in_dim3A_38 = vector.broadcast %broadcast_in_dim3A_37 : i32 to vector<16xi32>
        %gather3A_39 = tpu.vector_load_idx %arg13[%add3A_29, %broadcast_in_dim3A_38] : memref<400x16xf32, #tpu.memory_space<vmem>>[vector<16xi32>, vector<16xi32>], vector<16xf32>,
        %broadcast_in_dim3A_40 = arith.constant 4 : i32
        %broadcast_in_dim3A_41 = vector.broadcast %broadcast_in_dim3A_40 : i32 to vector<16xi32>
        %gather3A_42 = tpu.vector_load_idx %arg13[%add3A_29, %broadcast_in_dim3A_41] : memref<400x16xf32, #tpu.memory_space<vmem>>[vector<16xi32>, vector<16xi32>], vector<16xf32>,
        %mul3A_43 = arith.constant 16 : i32
        %mul3A_44 = arith.muli %scan3A_25, %mul3A_43 : i32
        %get3A = arith.constant 0 : i32
        %get3A_45 = arith.index_cast %get3A : i32 to index
        %get3A_46 = arith.index_cast %mul3A_44 : i32 to index
        %get3A_47 = tpu.vector_load %arg11[%get3A_45, %get3A_46] {strides = array<i32>} : memref<8x400xf32, #tpu.memory_space<vmem>>, vector<16xf32>,
        %get3A_48 = arith.constant 0 : i32
        %get3A_49 = arith.index_cast %get3A_48 : i32 to index
        %get3A_50 = arith.constant 0 : index
        %get3A_51 = tpu.vector_load %arg14[%get3A_49, %get3A_50] {strides = array<i32>} : memref<8x16xf32, #tpu.memory_space<vmem>>, vector<16xf32>,
        %sub3A = arith.subf %get3A_47, %get3A_51 : vector<16xf32>
        %exp3A = math.exp %sub3A : vector<16xf32>
        %broadcast_in_dim3A_52 = arith.constant 0 : i32
        %broadcast_in_dim3A_53 = vector.broadcast %broadcast_in_dim3A_52 : i32 to vector<16xi32>
        %mul3A_54 = arith.mulf %exp3A, %gather3A : vector<16xf32>
        tpu.vector_store_idx %arg12[%add3A_29, %broadcast_in_dim3A_53], %mul3A_54 : memref<400x48xf32, #tpu.memory_space<vmem>>[vector<16xi32>, vector<16xi32>], vector<16xf32>,
        %broadcast_in_dim3A_55 = arith.constant 1 : i32
        %broadcast_in_dim3A_56 = vector.broadcast %broadcast_in_dim3A_55 : i32 to vector<16xi32>
        %mul3A_57 = arith.mulf %exp3A, %gather3A_33 : vector<16xf32>
        tpu.vector_store_idx %arg12[%add3A_29, %broadcast_in_dim3A_56], %mul3A_57 : memref<400x48xf32, #tpu.memory_space<vmem>>[vector<16xi32>, vector<16xi32>], vector<16xf32>,
        %broadcast_in_dim3A_58 = arith.constant 2 : i32
        %broadcast_in_dim3A_59 = vector.broadcast %broadcast_in_dim3A_58 : i32 to vector<16xi32>
        %mul3A_60 = arith.mulf %exp3A, %gather3A_36 : vector<16xf32>
        tpu.vector_store_idx %arg12[%add3A_29, %broadcast_in_dim3A_59], %mul3A_60 : memref<400x48xf32, #tpu.memory_space<vmem>>[vector<16xi32>, vector<16xi32>], vector<16xf32>,
        %broadcast_in_dim3A_61 = arith.constant 3 : i32
        %broadcast_in_dim3A_62 = vector.broadcast %broadcast_in_dim3A_61 : i32 to vector<16xi32>
        %mul3A_63 = arith.mulf %exp3A, %gather3A_39 : vector<16xf32>
        tpu.vector_store_idx %arg12[%add3A_29, %broadcast_in_dim3A_62], %mul3A_63 : memref<400x48xf32, #tpu.memory_space<vmem>>[vector<16xi32>, vector<16xi32>], vector<16xf32>,
        %broadcast_in_dim3A_64 = arith.constant 4 : i32
        %broadcast_in_dim3A_65 = vector.broadcast %broadcast_in_dim3A_64 : i32 to vector<16xi32>
        %mul3A_66 = arith.mulf %exp3A, %gather3A_42 : vector<16xf32>
        tpu.vector_store_idx %arg12[%add3A_29, %broadcast_in_dim3A_65], %mul3A_66 : memref<400x48xf32, #tpu.memory_space<vmem>>[vector<16xi32>, vector<16xi32>], vector<16xf32>,
        %mul3A_67 = arith.constant 16 : i32
        %mul3A_68 = arith.muli %scan3A_25, %mul3A_67 : i32
        %get3A_69 = arith.constant 1 : i32
        %get3A_70 = arith.index_cast %get3A_69 : i32 to index
        %get3A_71 = arith.index_cast %mul3A_68 : i32 to index
        %get3A_72 = tpu.vector_load %arg11[%get3A_70, %get3A_71] {strides = array<i32>} : memref<8x400xf32, #tpu.memory_space<vmem>>, vector<16xf32>,
        %get3A_73 = arith.constant 1 : i32
        %get3A_74 = arith.index_cast %get3A_73 : i32 to index
        %get3A_75 = arith.constant 0 : index
        %get3A_76 = tpu.vector_load %arg14[%get3A_74, %get3A_75] {strides = array<i32>} : memref<8x16xf32, #tpu.memory_space<vmem>>, vector<16xf32>,
        %sub3A_77 = arith.subf %get3A_72, %get3A_76 : vector<16xf32>
        %exp3A_78 = math.exp %sub3A_77 : vector<16xf32>
        %broadcast_in_dim3A_79 = arith.constant 6 : i32
        %broadcast_in_dim3A_80 = vector.broadcast %broadcast_in_dim3A_79 : i32 to vector<16xi32>
        %mul3A_81 = arith.mulf %exp3A_78, %gather3A : vector<16xf32>
        tpu.vector_store_idx %arg12[%add3A_29, %broadcast_in_dim3A_80], %mul3A_81 : memref<400x48xf32, #tpu.memory_space<vmem>>[vector<16xi32>, vector<16xi32>], vector<16xf32>,
        %broadcast_in_dim3A_82 = arith.constant 7 : i32
        %broadcast_in_dim3A_83 = vector.broadcast %broadcast_in_dim3A_82 : i32 to vector<16xi32>
        %mul3A_84 = arith.mulf %exp3A_78, %gather3A_33 : vector<16xf32>
        tpu.vector_store_idx %arg12[%add3A_29, %broadcast_in_dim3A_83], %mul3A_84 : memref<400x48xf32, #tpu.memory_space<vmem>>[vector<16xi32>, vector<16xi32>], vector<16xf32>,
        %broadcast_in_dim3A_85 = arith.constant 8 : i32
        %broadcast_in_dim3A_86 = vector.broadcast %broadcast_in_dim3A_85 : i32 to vector<16xi32>
        %mul3A_87 = arith.mulf %exp3A_78, %gather3A_36 : vector<16xf32>
        tpu.vector_store_idx %arg12[%add3A_29, %broadcast_in_dim3A_86], %mul3A_87 : memref<400x48xf32, #tpu.memory_space<vmem>>[vector<16xi32>, vector<16xi32>], vector<16xf32>,
        %broadcast_in_dim3A_88 = arith.constant 9 : i32
        %broadcast_in_dim3A_89 = vector.broadcast %broadcast_in_dim3A_88 : i32 to vector<16xi32>
        %mul3A_90 = arith.mulf %exp3A_78, %gather3A_39 : vector<16xf32>
        tpu.vector_store_idx %arg12[%add3A_29, %broadcast_in_dim3A_89], %mul3A_90 : memref<400x48xf32, #tpu.memory_space<vmem>>[vector<16xi32>, vector<16xi32>], vector<16xf32>,
        %broadcast_in_dim3A_91 = arith.constant 10 : i32
        %broadcast_in_dim3A_92 = vector.broadcast %broadcast_in_dim3A_91 : i32 to vector<16xi32>
        %mul3A_93 = arith.mulf %exp3A_78, %gather3A_42 : vector<16xf32>
        tpu.vector_store_idx %arg12[%add3A_29, %broadcast_in_dim3A_92], %mul3A_93 : memref<400x48xf32, #tpu.memory_space<vmem>>[vector<16xi32>, vector<16xi32>], vector<16xf32>,
        %mul3A_94 = arith.constant 16 : i32
        %mul3A_95 = arith.muli %scan3A_25, %mul3A_94 : i32
        %get3A_96 = arith.constant 2 : i32
        %get3A_97 = arith.index_cast %get3A_96 : i32 to index
        %get3A_98 = arith.index_cast %mul3A_95 : i32 to index
        %get3A_99 = tpu.vector_load %arg11[%get3A_97, %get3A_98] {strides = array<i32>} : memref<8x400xf32, #tpu.memory_space<vmem>>, vector<16xf32>,
        %get3A_100 = arith.constant 2 : i32
        %get3A_101 = arith.index_cast %get3A_100 : i32 to index
        %get3A_102 = arith.constant 0 : index
        %get3A_103 = tpu.vector_load %arg14[%get3A_101, %get3A_102] {strides = array<i32>} : memref<8x16xf32, #tpu.memory_space<vmem>>, vector<16xf32>,
        %sub3A_104 = arith.subf %get3A_99, %get3A_103 : vector<16xf32>
        %exp3A_105 = math.exp %sub3A_104 : vector<16xf32>
        %broadcast_in_dim3A_106 = arith.constant 12 : i32
        %broadcast_in_dim3A_107 = vector.broadcast %broadcast_in_dim3A_106 : i32 to vector<16xi32>
        %mul3A_108 = arith.mulf %exp3A_105, %gather3A : vector<16xf32>
        tpu.vector_store_idx %arg12[%add3A_29, %broadcast_in_dim3A_107], %mul3A_108 : memref<400x48xf32, #tpu.memory_space<vmem>>[vector<16xi32>, vector<16xi32>], vector<16xf32>,
        %broadcast_in_dim3A_109 = arith.constant 13 : i32
        %broadcast_in_dim3A_110 = vector.broadcast %broadcast_in_dim3A_109 : i32 to vector<16xi32>
        %mul3A_111 = arith.mulf %exp3A_105, %gather3A_33 : vector<16xf32>
        tpu.vector_store_idx %arg12[%add3A_29, %broadcast_in_dim3A_110], %mul3A_111 : memref<400x48xf32, #tpu.memory_space<vmem>>[vector<16xi32>, vector<16xi32>], vector<16xf32>,
        %broadcast_in_dim3A_112 = arith.constant 14 : i32
        %broadcast_in_dim3A_113 = vector.broadcast %broadcast_in_dim3A_112 : i32 to vector<16xi32>
        %mul3A_114 = arith.mulf %exp3A_105, %gather3A_36 : vector<16xf32>
        tpu.vector_store_idx %arg12[%add3A_29, %broadcast_in_dim3A_113], %mul3A_114 : memref<400x48xf32, #tpu.memory_space<vmem>>[vector<16xi32>, vector<16xi32>], vector<16xf32>,
        %broadcast_in_dim3A_115 = arith.constant 15 : i32
        %broadcast_in_dim3A_116 = vector.broadcast %broadcast_in_dim3A_115 : i32 to vector<16xi32>
        %mul3A_117 = arith.mulf %exp3A_105, %gather3A_39 : vector<16xf32>
        tpu.vector_store_idx %arg12[%add3A_29, %broadcast_in_dim3A_116], %mul3A_117 : memref<400x48xf32, #tpu.memory_space<vmem>>[vector<16xi32>, vector<16xi32>], vector<16xf32>,
        %broadcast_in_dim3A_118 = arith.constant 16 : i32
        %broadcast_in_dim3A_119 = vector.broadcast %broadcast_in_dim3A_118 : i32 to vector<16xi32>
        %mul3A_120 = arith.mulf %exp3A_105, %gather3A_42 : vector<16xf32>
        tpu.vector_store_idx %arg12[%add3A_29, %broadcast_in_dim3A_119], %mul3A_120 : memref<400x48xf32, #tpu.memory_space<vmem>>[vector<16xi32>, vector<16xi32>], vector<16xf32>,
        %mul3A_121 = arith.constant 16 : i32
        %mul3A_122 = arith.muli %scan3A_25, %mul3A_121 : i32
        %get3A_123 = arith.constant 3 : i32
        %get3A_124 = arith.index_cast %get3A_123 : i32 to index
        %get3A_125 = arith.index_cast %mul3A_122 : i32 to index
        %get3A_126 = tpu.vector_load %arg11[%get3A_124, %get3A_125] {strides = array<i32>} : memref<8x400xf32, #tpu.memory_space<vmem>>, vector<16xf32>,
        %get3A_127 = arith.constant 3 : i32
        %get3A_128 = arith.index_cast %get3A_127 : i32 to index
        %get3A_129 = arith.constant 0 : index
        %get3A_130 = tpu.vector_load %arg14[%get3A_128, %get3A_129] {strides = array<i32>} : memref<8x16xf32, #tpu.memory_space<vmem>>, vector<16xf32>,
        %sub3A_131 = arith.subf %get3A_126, %get3A_130 : vector<16xf32>
        %exp3A_132 = math.exp %sub3A_131 : vector<16xf32>
        %broadcast_in_dim3A_133 = arith.constant 18 : i32
        %broadcast_in_dim3A_134 = vector.broadcast %broadcast_in_dim3A_133 : i32 to vector<16xi32>
        %mul3A_135 = arith.mulf %exp3A_132, %gather3A : vector<16xf32>
        tpu.vector_store_idx %arg12[%add3A_29, %broadcast_in_dim3A_134], %mul3A_135 : memref<400x48xf32, #tpu.memory_space<vmem>>[vector<16xi32>, vector<16xi32>], vector<16xf32>,
        %broadcast_in_dim3A_136 = arith.constant 19 : i32
        %broadcast_in_dim3A_137 = vector.broadcast %broadcast_in_dim3A_136 : i32 to vector<16xi32>
        %mul3A_138 = arith.mulf %exp3A_132, %gather3A_33 : vector<16xf32>
        tpu.vector_store_idx %arg12[%add3A_29, %broadcast_in_dim3A_137], %mul3A_138 : memref<400x48xf32, #tpu.memory_space<vmem>>[vector<16xi32>, vector<16xi32>], vector<16xf32>,
        %broadcast_in_dim3A_139 = arith.constant 20 : i32
        %broadcast_in_dim3A_140 = vector.broadcast %broadcast_in_dim3A_139 : i32 to vector<16xi32>
        %mul3A_141 = arith.mulf %exp3A_132, %gather3A_36 : vector<16xf32>
        tpu.vector_store_idx %arg12[%add3A_29, %broadcast_in_dim3A_140], %mul3A_141 : memref<400x48xf32, #tpu.memory_space<vmem>>[vector<16xi32>, vector<16xi32>], vector<16xf32>,
        %broadcast_in_dim3A_142 = arith.constant 21 : i32
        %broadcast_in_dim3A_143 = vector.broadcast %broadcast_in_dim3A_142 : i32 to vector<16xi32>
        %mul3A_144 = arith.mulf %exp3A_132, %gather3A_39 : vector<16xf32>
        tpu.vector_store_idx %arg12[%add3A_29, %broadcast_in_dim3A_143], %mul3A_144 : memref<400x48xf32, #tpu.memory_space<vmem>>[vector<16xi32>, vector<16xi32>], vector<16xf32>,
        %broadcast_in_dim3A_145 = arith.constant 22 : i32
        %broadcast_in_dim3A_146 = vector.broadcast %broadcast_in_dim3A_145 : i32 to vector<16xi32>
        %mul3A_147 = arith.mulf %exp3A_132, %gather3A_42 : vector<16xf32>
        tpu.vector_store_idx %arg12[%add3A_29, %broadcast_in_dim3A_146], %mul3A_147 : memref<400x48xf32, #tpu.memory_space<vmem>>[vector<16xi32>, vector<16xi32>], vector<16xf32>,
        %mul3A_148 = arith.constant 16 : i32
        %mul3A_149 = arith.muli %scan3A_25, %mul3A_148 : i32
        %get3A_150 = arith.constant 4 : i32
        %get3A_151 = arith.index_cast %get3A_150 : i32 to index
        %get3A_152 = arith.index_cast %mul3A_149 : i32 to index
        %get3A_153 = tpu.vector_load %arg11[%get3A_151, %get3A_152] {strides = array<i32>} : memref<8x400xf32, #tpu.memory_space<vmem>>, vector<16xf32>,
        %get3A_154 = arith.constant 4 : i32
        %get3A_155 = arith.index_cast %get3A_154 : i32 to index
        %get3A_156 = arith.constant 0 : index
        %get3A_157 = tpu.vector_load %arg14[%get3A_155, %get3A_156] {strides = array<i32>} : memref<8x16xf32, #tpu.memory_space<vmem>>, vector<16xf32>,
        %sub3A_158 = arith.subf %get3A_153, %get3A_157 : vector<16xf32>
        %exp3A_159 = math.exp %sub3A_158 : vector<16xf32>
        %broadcast_in_dim3A_160 = arith.constant 24 : i32
        %broadcast_in_dim3A_161 = vector.broadcast %broadcast_in_dim3A_160 : i32 to vector<16xi32>
        %mul3A_162 = arith.mulf %exp3A_159, %gather3A : vector<16xf32>
        tpu.vector_store_idx %arg12[%add3A_29, %broadcast_in_dim3A_161], %mul3A_162 : memref<400x48xf32, #tpu.memory_space<vmem>>[vector<16xi32>, vector<16xi32>], vector<16xf32>,
        %broadcast_in_dim3A_163 = arith.constant 25 : i32
        %broadcast_in_dim3A_164 = vector.broadcast %broadcast_in_dim3A_163 : i32 to vector<16xi32>
        %mul3A_165 = arith.mulf %exp3A_159, %gather3A_33 : vector<16xf32>
        tpu.vector_store_idx %arg12[%add3A_29, %broadcast_in_dim3A_164], %mul3A_165 : memref<400x48xf32, #tpu.memory_space<vmem>>[vector<16xi32>, vector<16xi32>], vector<16xf32>,
        %broadcast_in_dim3A_166 = arith.constant 26 : i32
        %broadcast_in_dim3A_167 = vector.broadcast %broadcast_in_dim3A_166 : i32 to vector<16xi32>
        %mul3A_168 = arith.mulf %exp3A_159, %gather3A_36 : vector<16xf32>
        tpu.vector_store_idx %arg12[%add3A_29, %broadcast_in_dim3A_167], %mul3A_168 : memref<400x48xf32, #tpu.memory_space<vmem>>[vector<16xi32>, vector<16xi32>], vector<16xf32>,
        %broadcast_in_dim3A_169 = arith.constant 27 : i32
        %broadcast_in_dim3A_170 = vector.broadcast %broadcast_in_dim3A_169 : i32 to vector<16xi32>
        %mul3A_171 = arith.mulf %exp3A_159, %gather3A_39 : vector<16xf32>
        tpu.vector_store_idx %arg12[%add3A_29, %broadcast_in_dim3A_170], %mul3A_171 : memref<400x48xf32, #tpu.memory_space<vmem>>[vector<16xi32>, vector<16xi32>], vector<16xf32>,
        %broadcast_in_dim3A_172 = arith.constant 28 : i32
        %broadcast_in_dim3A_173 = vector.broadcast %broadcast_in_dim3A_172 : i32 to vector<16xi32>
        %mul3A_174 = arith.mulf %exp3A_159, %gather3A_42 : vector<16xf32>
        tpu.vector_store_idx %arg12[%add3A_29, %broadcast_in_dim3A_173], %mul3A_174 : memref<400x48xf32, #tpu.memory_space<vmem>>[vector<16xi32>, vector<16xi32>], vector<16xf32>,
        %mul3A_175 = arith.constant 16 : i32
        %mul3A_176 = arith.muli %scan3A_25, %mul3A_175 : i32
        %get3A_177 = arith.constant 5 : i32
        %get3A_178 = arith.index_cast %get3A_177 : i32 to index
        %get3A_179 = arith.index_cast %mul3A_176 : i32 to index
        %get3A_180 = tpu.vector_load %arg11[%get3A_178, %get3A_179] {strides = array<i32>} : memref<8x400xf32, #tpu.memory_space<vmem>>, vector<16xf32>,
        %get3A_181 = arith.constant 5 : i32
        %get3A_182 = arith.index_cast %get3A_181 : i32 to index
        %get3A_183 = arith.constant 0 : index
        %get3A_184 = tpu.vector_load %arg14[%get3A_182, %get3A_183] {strides = array<i32>} : memref<8x16xf32, #tpu.memory_space<vmem>>, vector<16xf32>,
        %sub3A_185 = arith.subf %get3A_180, %get3A_184 : vector<16xf32>
        %exp3A_186 = math.exp %sub3A_185 : vector<16xf32>
        %broadcast_in_dim3A_187 = arith.constant 30 : i32
        %broadcast_in_dim3A_188 = vector.broadcast %broadcast_in_dim3A_187 : i32 to vector<16xi32>
        %mul3A_189 = arith.mulf %exp3A_186, %gather3A : vector<16xf32>
        tpu.vector_store_idx %arg12[%add3A_29, %broadcast_in_dim3A_188], %mul3A_189 : memref<400x48xf32, #tpu.memory_space<vmem>>[vector<16xi32>, vector<16xi32>], vector<16xf32>,
        %broadcast_in_dim3A_190 = arith.constant 31 : i32
        %broadcast_in_dim3A_191 = vector.broadcast %broadcast_in_dim3A_190 : i32 to vector<16xi32>
        %mul3A_192 = arith.mulf %exp3A_186, %gather3A_33 : vector<16xf32>
        tpu.vector_store_idx %arg12[%add3A_29, %broadcast_in_dim3A_191], %mul3A_192 : memref<400x48xf32, #tpu.memory_space<vmem>>[vector<16xi32>, vector<16xi32>], vector<16xf32>,
        %broadcast_in_dim3A_193 = arith.constant 32 : i32
        %broadcast_in_dim3A_194 = vector.broadcast %broadcast_in_dim3A_193 : i32 to vector<16xi32>
        %mul3A_195 = arith.mulf %exp3A_186, %gather3A_36 : vector<16xf32>
        tpu.vector_store_idx %arg12[%add3A_29, %broadcast_in_dim3A_194], %mul3A_195 : memref<400x48xf32, #tpu.memory_space<vmem>>[vector<16xi32>, vector<16xi32>], vector<16xf32>,
        %broadcast_in_dim3A_196 = arith.constant 33 : i32
        %broadcast_in_dim3A_197 = vector.broadcast %broadcast_in_dim3A_196 : i32 to vector<16xi32>
        %mul3A_198 = arith.mulf %exp3A_186, %gather3A_39 : vector<16xf32>
        tpu.vector_store_idx %arg12[%add3A_29, %broadcast_in_dim3A_197], %mul3A_198 : memref<400x48xf32, #tpu.memory_space<vmem>>[vector<16xi32>, vector<16xi32>], vector<16xf32>,
        %broadcast_in_dim3A_199 = arith.constant 34 : i32
        %broadcast_in_dim3A_200 = vector.broadcast %broadcast_in_dim3A_199 : i32 to vector<16xi32>
        %mul3A_201 = arith.mulf %exp3A_186, %gather3A_42 : vector<16xf32>
        tpu.vector_store_idx %arg12[%add3A_29, %broadcast_in_dim3A_200], %mul3A_201 : memref<400x48xf32, #tpu.memory_space<vmem>>[vector<16xi32>, vector<16xi32>], vector<16xf32>,
        %mul3A_202 = arith.constant 16 : i32
        %mul3A_203 = arith.muli %scan3A_25, %mul3A_202 : i32
        %get3A_204 = arith.constant 6 : i32
        %get3A_205 = arith.index_cast %get3A_204 : i32 to index
        %get3A_206 = arith.index_cast %mul3A_203 : i32 to index
        %get3A_207 = tpu.vector_load %arg11[%get3A_205, %get3A_206] {strides = array<i32>} : memref<8x400xf32, #tpu.memory_space<vmem>>, vector<16xf32>,
        %get3A_208 = arith.constant 6 : i32
        %get3A_209 = arith.index_cast %get3A_208 : i32 to index
        %get3A_210 = arith.constant 0 : index
        %get3A_211 = tpu.vector_load %arg14[%get3A_209, %get3A_210] {strides = array<i32>} : memref<8x16xf32, #tpu.memory_space<vmem>>, vector<16xf32>,
        %sub3A_212 = arith.subf %get3A_207, %get3A_211 : vector<16xf32>
        %exp3A_213 = math.exp %sub3A_212 : vector<16xf32>
        %broadcast_in_dim3A_214 = arith.constant 36 : i32
        %broadcast_in_dim3A_215 = vector.broadcast %broadcast_in_dim3A_214 : i32 to vector<16xi32>
        %mul3A_216 = arith.mulf %exp3A_213, %gather3A : vector<16xf32>
        tpu.vector_store_idx %arg12[%add3A_29, %broadcast_in_dim3A_215], %mul3A_216 : memref<400x48xf32, #tpu.memory_space<vmem>>[vector<16xi32>, vector<16xi32>], vector<16xf32>,
        %broadcast_in_dim3A_217 = arith.constant 37 : i32
        %broadcast_in_dim3A_218 = vector.broadcast %broadcast_in_dim3A_217 : i32 to vector<16xi32>
        %mul3A_219 = arith.mulf %exp3A_213, %gather3A_33 : vector<16xf32>
        tpu.vector_store_idx %arg12[%add3A_29, %broadcast_in_dim3A_218], %mul3A_219 : memref<400x48xf32, #tpu.memory_space<vmem>>[vector<16xi32>, vector<16xi32>], vector<16xf32>,
        %broadcast_in_dim3A_220 = arith.constant 38 : i32
        %broadcast_in_dim3A_221 = vector.broadcast %broadcast_in_dim3A_220 : i32 to vector<16xi32>
        %mul3A_222 = arith.mulf %exp3A_213, %gather3A_36 : vector<16xf32>
        tpu.vector_store_idx %arg12[%add3A_29, %broadcast_in_dim3A_221], %mul3A_222 : memref<400x48xf32, #tpu.memory_space<vmem>>[vector<16xi32>, vector<16xi32>], vector<16xf32>,
        %broadcast_in_dim3A_223 = arith.constant 39 : i32
        %broadcast_in_dim3A_224 = vector.broadcast %broadcast_in_dim3A_223 : i32 to vector<16xi32>
        %mul3A_225 = arith.mulf %exp3A_213, %gather3A_39 : vector<16xf32>
        tpu.vector_store_idx %arg12[%add3A_29, %broadcast_in_dim3A_224], %mul3A_225 : memref<400x48xf32, #tpu.memory_space<vmem>>[vector<16xi32>, vector<16xi32>], vector<16xf32>,
        %broadcast_in_dim3A_226 = arith.constant 40 : i32
        %broadcast_in_dim3A_227 = vector.broadcast %broadcast_in_dim3A_226 : i32 to vector<16xi32>
        %mul3A_228 = arith.mulf %exp3A_213, %gather3A_42 : vector<16xf32>
        tpu.vector_store_idx %arg12[%add3A_29, %broadcast_in_dim3A_227], %mul3A_228 : memref<400x48xf32, #tpu.memory_space<vmem>>[vector<16xi32>, vector<16xi32>], vector<16xf32>,
        %mul3A_229 = arith.constant 16 : i32
        %mul3A_230 = arith.muli %scan3A_25, %mul3A_229 : i32
        %get3A_231 = arith.constant 7 : i32
        %get3A_232 = arith.index_cast %get3A_231 : i32 to index
        %get3A_233 = arith.index_cast %mul3A_230 : i32 to index
        %get3A_234 = tpu.vector_load %arg11[%get3A_232, %get3A_233] {strides = array<i32>} : memref<8x400xf32, #tpu.memory_space<vmem>>, vector<16xf32>,
        %get3A_235 = arith.constant 7 : i32
        %get3A_236 = arith.index_cast %get3A_235 : i32 to index
        %get3A_237 = arith.constant 0 : index
        %get3A_238 = tpu.vector_load %arg14[%get3A_236, %get3A_237] {strides = array<i32>} : memref<8x16xf32, #tpu.memory_space<vmem>>, vector<16xf32>,
        %sub3A_239 = arith.subf %get3A_234, %get3A_238 : vector<16xf32>
        %exp3A_240 = math.exp %sub3A_239 : vector<16xf32>
        %broadcast_in_dim3A_241 = arith.constant 42 : i32
        %broadcast_in_dim3A_242 = vector.broadcast %broadcast_in_dim3A_241 : i32 to vector<16xi32>
        %mul3A_243 = arith.mulf %exp3A_240, %gather3A : vector<16xf32>
        tpu.vector_store_idx %arg12[%add3A_29, %broadcast_in_dim3A_242], %mul3A_243 : memref<400x48xf32, #tpu.memory_space<vmem>>[vector<16xi32>, vector<16xi32>], vector<16xf32>,
        %broadcast_in_dim3A_244 = arith.constant 43 : i32
        %broadcast_in_dim3A_245 = vector.broadcast %broadcast_in_dim3A_244 : i32 to vector<16xi32>
        %mul3A_246 = arith.mulf %exp3A_240, %gather3A_33 : vector<16xf32>
        tpu.vector_store_idx %arg12[%add3A_29, %broadcast_in_dim3A_245], %mul3A_246 : memref<400x48xf32, #tpu.memory_space<vmem>>[vector<16xi32>, vector<16xi32>], vector<16xf32>,
        %broadcast_in_dim3A_247 = arith.constant 44 : i32
        %broadcast_in_dim3A_248 = vector.broadcast %broadcast_in_dim3A_247 : i32 to vector<16xi32>
        %mul3A_249 = arith.mulf %exp3A_240, %gather3A_36 : vector<16xf32>
        tpu.vector_store_idx %arg12[%add3A_29, %broadcast_in_dim3A_248], %mul3A_249 : memref<400x48xf32, #tpu.memory_space<vmem>>[vector<16xi32>, vector<16xi32>], vector<16xf32>,
        %broadcast_in_dim3A_250 = arith.constant 45 : i32
        %broadcast_in_dim3A_251 = vector.broadcast %broadcast_in_dim3A_250 : i32 to vector<16xi32>
        %mul3A_252 = arith.mulf %exp3A_240, %gather3A_39 : vector<16xf32>
        tpu.vector_store_idx %arg12[%add3A_29, %broadcast_in_dim3A_251], %mul3A_252 : memref<400x48xf32, #tpu.memory_space<vmem>>[vector<16xi32>, vector<16xi32>], vector<16xf32>,
        %broadcast_in_dim3A_253 = arith.constant 46 : i32
        %broadcast_in_dim3A_254 = vector.broadcast %broadcast_in_dim3A_253 : i32 to vector<16xi32>
        %mul3A_255 = arith.mulf %exp3A_240, %gather3A_42 : vector<16xf32>
        tpu.vector_store_idx %arg12[%add3A_29, %broadcast_in_dim3A_254], %mul3A_255 : memref<400x48xf32, #tpu.memory_space<vmem>>[vector<16xi32>, vector<16xi32>], vector<16xf32>,
      }
      %scan3A_24 = arith.constant 25 : i32
      "tpu.region"() ({
        %run_scoped3A = tpu.sem_alloc : memref<!tpu.dma_semaphore, #tpu.memory_space<semaphore_mem>>
        %dma_start3A_25 = arith.constant 0 : i32
        %dma_start3A_26 = arith.constant 0 : i32
        %dma_start3A_27 = tpu.memref_slice %arg15[%dma_start3A_25, %dma_start3A_26] : memref<10000x48xf32, #tpu.memory_space<vmem_shared>> -> memref<10000x48xf32, #tpu.memory_space<vmem_shared>>
        tpu.enqueue_indirect_dma source(%arg12 : memref<400x48xf32, #tpu.memory_space<vmem>>) target(%dma_start3A_27 : memref<10000x48xf32, #tpu.memory_space<vmem_shared>>) offsets(%arg10 : memref<400xi32, #tpu.memory_space<vmem>>) semaphore(%run_scoped3A : memref<!tpu.dma_semaphore, #tpu.memory_space<semaphore_mem>>) {add = true}
        %dma_wait3A_28 = arith.constant 0 : i32
        %dma_wait3A_29 = arith.constant 0 : i32
        %dma_wait3A_30 = tpu.memref_slice %arg15[%dma_wait3A_28, %dma_wait3A_29] : memref<10000x48xf32, #tpu.memory_space<vmem_shared>> -> memref<10000x48xf32, #tpu.memory_space<vmem_shared>>
        tpu.wait_indirect_dma semaphore(%run_scoped3A : memref<!tpu.dma_semaphore, #tpu.memory_space<semaphore_mem>>) src(%arg12 : memref<400x48xf32, #tpu.memory_space<vmem>>) dst(%dma_wait3A_30 : memref<10000x48xf32, #tpu.memory_space<vmem_shared>>)
        tpu.yield
      }) : () -> ()
    }
    %scan3A_7 = arith.constant 50 : i32
    %barrier3A_8 = arith.constant 0 : index
    tpu.barrier barrier_id(%barrier3A_8)
    "tpu.region"() ({
      %run_scoped3A = tpu.sem_alloc : memref<!tpu.dma_semaphore, #tpu.memory_space<semaphore_mem>>
      %dma_start3A = arith.constant 0 : i32
      %dma_start3A_9 = tpu.memref_slice %arg8[%arg0, %mul3A_2, %dma_start3A] : memref<2x10000x48xf32, #tpu.memory_space<hbm>> -> memref<1x625x48xf32, #tpu.memory_space<hbm>>
      %dma_start3A_10 = tpu.memref_squeeze %dma_start3A_9 : memref<1x625x48xf32, #tpu.memory_space<hbm>> -> memref<625x48xf32, #tpu.memory_space<hbm>>
      %dma_start3A_11 = arith.constant 0 : i32
      %dma_start3A_12 = tpu.memref_slice %arg15[%mul3A_2, %dma_start3A_11] : memref<10000x48xf32, #tpu.memory_space<vmem_shared>> -> memref<625x48xf32, #tpu.memory_space<vmem_shared>>
      tpu.enqueue_dma source(%dma_start3A_12 : memref<625x48xf32, #tpu.memory_space<vmem_shared>>) target(%dma_start3A_10 : memref<625x48xf32, #tpu.memory_space<hbm>>) target_semaphore(%run_scoped3A : memref<!tpu.dma_semaphore, #tpu.memory_space<semaphore_mem>>)
      %dma_wait3A = arith.constant 0 : i32
      %dma_wait3A_13 = tpu.memref_slice %arg8[%arg0, %mul3A_2, %dma_wait3A] : memref<2x10000x48xf32, #tpu.memory_space<hbm>> -> memref<1x625x48xf32, #tpu.memory_space<hbm>>
      %dma_wait3A_14 = tpu.memref_squeeze %dma_wait3A_13 : memref<1x625x48xf32, #tpu.memory_space<hbm>> -> memref<625x48xf32, #tpu.memory_space<hbm>>
      %dma_wait3A_15 = arith.constant 0 : i32
      %dma_wait3A_16 = tpu.memref_slice %arg15[%mul3A_2, %dma_wait3A_15] : memref<10000x48xf32, #tpu.memory_space<vmem_shared>> -> memref<625x48xf32, #tpu.memory_space<vmem_shared>>
      tpu.wait_dma2 semaphore(%run_scoped3A : memref<!tpu.dma_semaphore, #tpu.memory_space<semaphore_mem>>) src(%dma_wait3A_16 : memref<625x48xf32, #tpu.memory_space<vmem_shared>>) dst(%dma_wait3A_14 : memref<625x48xf32, #tpu.memory_space<hbm>>)
      tpu.yield
    }) : () -> ()
    return
  }
}

</mosaic_0001>

<sc_bundles>
// kernel: kernel.4.cloned.1.call-start
scs
__scs_entry_jumppad:
0x0: {  	(pc) =	sbr.rel $0x88, $3  }
0x1: {  	(tag) =	ssettag $0x0;
	lr =	simm.s32 $0x1  }
0x2: {  	[smem:$0x3F97] =	sst lr;
	_ =	strace $0xD0000000  }
0x3: {  	_ = 	snop  }
0x4: {  	_ = 	snop  }
0x5: {  	_ = 	snop  }
0x6: {  	_ = 	snop  }
0x7: {  	_ = 	snop  }
__scs_overlays_trampoline_lowered:
0x8: {  	[smem:$0x3FA6] =	sst s0  }
0x9: {  	[smem:$0x3FA7] =	sst s1  }
0xa: {  	[smem:$0x3FA8] =	sst s2  }
0xb: {  	[smem:$0x3FA9] =	sst s3  }
0xc: {  	[smem:$0x3FAA] =	sst s4  }
0xd: {  	[smem:$0x3FAB] =	sst s5  }
0xe: {  	[smem:$0x3FAC] =	sst s6  }
0xf: {  	[smem:$0x3FAD] =	sst s7  }
0x10: {  	[smem:$0x3FAE] =	sst s8  }
0x11: {  	[smem:$0x3FAF] =	sst s9;
	s0 =	simm.s32 @!p0 $0x0  }
0x12: {  	s1 =	sld [smem:$0x3F95];
	s0 =	simm.s32 @p0 $0x1  }
0x13: {  	[smem:$0x3FB0] =	sst s0;
	s0 =	simm.s32 @!p1 $0x0  }
0x14: {  	s2 =	sld [smem:$0x3F94];
	s0 =	simm.s32 @p1 $0x1  }
0x15: {  	[smem:$0x3FB1] =	sst s0;
	s0 =	simm.s32 @!p2 $0x0  }
0x16: {  	s3 =	sld [smem:$0x3FDB];
	s0 =	simm.s32 @p2 $0x1  }
0x17: {  	s4 =	simm.s32 $0x1BF5;
	[smem:$0x3FB3] =	sst s0  }
0x18: {  	s0 =	sld [smem:$0x3F96];
	_ =	swait.ge [sflag:s4], $0x0  }
0x19: {  	s7 =	sld [smem:$0x3F97]  }
0x1a: {  	s8 =	sadd.s32 $0xFFFFE003, lr  }
0x1b: {  	s9 =	sadd.s32 $0xFFFFFEF7, lr;
	s5 =	simm.s32 $0xFFFFFFFF;
	p2 =	slt.u32 s8, $0xFFFFF086  }
0x1c: {  	p1 =	slt.u32 s9, $0xF7A;
	s5 =	simm.s32 @!p2 $0x0  }
0x1d: {  	s5 =	simm.s32 @p1 $0x1;
	p0 =	seq.s32 s7, s2  }
0x1e: {  	s7 =	smul.u32 @!p0 $0xF7A, s2;
	p2 =	seq.s32 @!p0 s5, $0x0  }
0x1f: {  	s9 =	smul.u32 $0xF7A, s1;
	s8 =	simm.s32 @!p0 $0x1BF5;
	p2 =	por !p2, p0  }
0x20: {  	[sflag:s8] =	ssyncset.s32 @!p0 $0xFFFFF086;
	s6 =	sadd.s32 @!p0 s3, s7;
	s7 =	simm.s32 @!p0 $0x108  }
0x21: {  	s3 =	sadd.s32 s3, s9;
	s6 =	sadd.s32 @!p0 $0x88, s6;
	s7 =	simm.s32 @p2 $0x1082  }
0x22: {  	[simem:s7], [sflag:s8] =	dma.local @!p0 [hbm:s6], $0xF7A  }
0x23: {  	s9 =	sor.u32 $0xD0000000, s2;
	s6 =	simm.s32 $0x108;
	_ =	swait.ge @!p0 [sflag:s8], $0x0  }
0x24: {  	s3 =	sadd.s32 $0x88, s3;
	s6 =	simm.s32 @!p1 $0x1082;
	[sflag:s4] =	ssyncset.s32 $0xFFFFF086  }
0x25: {  	[simem:s6], [sflag:s4] =	dma.local [hbm:s3], $0xF7A  }
0x26: {  	[smem:$0x3F97] =	sst s1;
	(tag) =	ssettag s2;
	_ =	strace s9  }
0x27: {  	s1 =	sld [smem:$0x3FA7]  }
0x28: {  	s2 =	sld [smem:$0x3FA8]  }
0x29: {  	s4 =	sld [smem:$0x3FAA]  }
0x2a: {  	p0 =	seq.s32 s5, $0x0;
	s5 =	sld [smem:$0x3FAB]  }
0x2b: {  	s6 =	sld [smem:$0x3FAC]  }
0x2c: {  	s7 =	sld [smem:$0x3FAD]  }
0x2d: {  	s3 =	simm.s32 $0x108;
	s8 =	sld [smem:$0x3FAE]  }
0x2e: {  	s3 =	simm.s32 @!p0 $0x1082;
	s9 =	sld [smem:$0x3FAF]  }
0x2f: {  	lr =	sadd.s32 s0, s3;
	s0 =	sld [smem:$0x3FA6]  }
0x30: {  	s3 =	sld [smem:$0x3FA9]  }
0x31: {  	[smem:$0x3FB2] =	sst s10  }
0x32: {  	s10 =	sld [smem:$0x3FB0];
	_ =	sdelay $0x3  }
0x33: {  	p0 =	seq.s32 s10, $0x1;
	s10 =	sld [smem:$0x3FB2];
	_ =	sdelay $0x3  }
0x34: {  	[smem:$0x3FB2] =	sst s10  }
0x35: {  	s10 =	sld [smem:$0x3FB1];
	_ =	sdelay $0x3  }
0x36: {  	p1 =	seq.s32 s10, $0x1;
	s10 =	sld [smem:$0x3FB2];
	_ =	sdelay $0x3  }
0x37: {  	[smem:$0x3FB2] =	sst s10  }
0x38: {  	s10 =	sld [smem:$0x3FB3]  }
0x39: {  	_ = 	snop;
	(pc) =	sbr.ind lr, $3  }
0x3a: {  	_ = 	snop  }
0x3b: {  	_ = 	snop  }
0x3c: {  	p2 =	seq.s32 s10, $0x1;
	s10 =	sld [smem:$0x3FB2]  }
0x3d: {  	_ =	shalt  }
0x3e: {  	_ =	shalt  }
0x3f: {  	_ =	shalt  }
0x40: {  	_ =	shalt  }
0x41: {  	_ =	shalt  }
0x42: {  	_ =	shalt  }
0x43: {  	_ =	shalt  }
0x44: {  	_ =	shalt  }
0x45: {  	_ =	shalt  }
0x46: {  	_ =	shalt  }
0x47: {  	_ =	shalt  }
0x48: {  	_ =	shalt  }
0x49: {  	_ =	shalt  }
0x4a: {  	_ =	shalt  }
0x4b: {  	_ =	shalt  }
0x4c: {  	_ =	shalt  }
0x4d: {  	_ =	shalt  }
0x4e: {  	_ =	shalt  }
0x4f: {  	_ =	shalt  }
0x50: {  	_ =	shalt  }
0x51: {  	_ =	shalt  }
0x52: {  	_ =	shalt  }
0x53: {  	_ =	shalt  }
0x54: {  	_ =	shalt  }
0x55: {  	_ =	shalt  }
0x56: {  	_ =	shalt  }
0x57: {  	_ =	shalt  }
0x58: {  	_ =	shalt  }
0x59: {  	_ =	shalt  }
0x5a: {  	_ =	shalt  }
0x5b: {  	_ =	shalt  }
0x5c: {  	_ =	shalt  }
0x5d: {  	_ =	shalt  }
0x5e: {  	_ =	shalt  }
0x5f: {  	_ =	shalt  }
0x60: {  	_ =	shalt  }
0x61: {  	_ =	shalt  }
0x62: {  	_ =	shalt  }
0x63: {  	_ =	shalt  }
0x64: {  	_ =	shalt  }
0x65: {  	_ =	shalt  }
0x66: {  	_ =	shalt  }
0x67: {  	_ =	shalt  }
0x68: {  	_ =	shalt  }
0x69: {  	_ =	shalt  }
0x6a: {  	_ =	shalt  }
0x6b: {  	_ =	shalt  }
0x6c: {  	_ =	shalt  }
0x6d: {  	_ =	shalt  }
0x6e: {  	_ =	shalt  }
0x6f: {  	_ =	shalt  }
0x70: {  	_ =	shalt  }
0x71: {  	_ =	shalt  }
0x72: {  	_ =	shalt  }
0x73: {  	_ =	shalt  }
0x74: {  	_ =	shalt  }
0x75: {  	_ =	shalt  }
0x76: {  	_ =	shalt  }
0x77: {  	_ =	shalt  }
0x78: {  	_ =	shalt  }
0x79: {  	_ =	shalt  }
0x7a: {  	_ =	shalt  }
0x7b: {  	_ =	shalt  }
0x7c: {  	_ =	shalt  }
0x7d: {  	_ =	shalt  }
0x7e: {  	_ =	shalt  }
0x7f: {  	_ =	shalt  }
0x80: {  	_ =	shalt  }
0x81: {  	_ =	shalt  }
0x82: {  	_ =	shalt  }
0x83: {  	_ =	shalt  }
0x84: {  	_ =	shalt  }
0x85: {  	_ =	shalt  }
0x86: {  	_ =	shalt  }
0x87: {  	_ =	shalt  }
.Lfunc_end0:
.L_simem_size_0:
called_computation_lowered:
.L_overlay_start_0:
0x88: {  	s2 =	sld [smem:$0x3FD9]  }
0x89: {  	s3 =	sld [smem:$0x3FFE];
	_ =	sdelay $0x1  }
0x8a: {  	s1 =	srdreg.scid  }
0x8b: {  	s0 =	sand.u32 $0x1, s1  }
0x8c: {  	s17 =	sshll.u32 s0, $0xA;
	s2 =	sadd.s32 s3, s2  }
0x8d: {  	s2 =	sadd.s32 s2, s17  }
0x8e: {  	[smem:$0x3FBE] =	sst s2  }
0x8f: {  	_ = 	snop  }
0x90: {  	s2 =	sld [smem:$0x3FD0];
	(tm) =	ssettm $0x1  }
0x91: {  	s18 =	sld [smem:$0x3FFB];
	_ =	sdelay $0x3  }
0x92: {  	_ =	strace s18  }
0x93: {  	s3 =	sld [smem:$0x3FFC];
	_ =	sdelay $0x3  }
0x94: {  	_ =	strace s3  }
0x95: {  	s3 =	sld [smem:$0x3FFD];
	_ =	sdelay $0x3  }
0x96: {  	_ =	strace s3  }
0x97: {  	_ =	strace $0x8FFFFFFF  }
0x98: {  	s19 =	sld [smem:$0x3FDB];
	_ =	sdelay $0x1  }
0x99: {  	s4 =	simm.s32 $_scs_section_size  }
0x9a: {  	s5 =	simm.s32 $_size__tile_overlayer_lowered;
	s6 =	simm.s32 $_tile_overlayer_lowered  }
0x9b: {  	s22 =	simm.s32 $0x1BFF;
	s21 =	sshll.u32 s6, $0x1;
	s3 =	sadd.s32 s4, s19  }
0x9c: {  	s7 =	simm.s32 $0x0;
	s20 =	sshll.u32 s5, $0x1;
	s5 =	sadd.s32 s21, s3  }
0x9d: {  	[timem:s7], [sflag:s22] =	dma.local [hbm:s5], s20  }
0x9e: {  	_ =	swait.ge [sflag:s22], s20  }
0x9f: {  	s4 =	ssub.s32 $0x0, s20;
	[sflag:s22] =	ssyncset.done $0x0  }
0xa0: {  	[sflag:s22] =	ssyncadd.s32 s4;
	_ =	sdelay $0x1  }
0xa1: {  	s23 =	simm.s32 $0x1B8B  }
0xa2: {  	_ =	swait.ge [sflag:s23], $0x1  }
0xa3: {  	[sflag:s23] =	ssyncset.done $0x0  }
0xa4: {  	s25 =	simm.s32 $0x1B8E;
	s24 =	sld [smem:$0x3FFE];
	[sflag:s23] =	ssyncadd.s32 $0xFFFFFFFF  }
0xa5: {  	s26 =	simm.s32 $execute0_lowered;
	[smem:$0x3FD2] =	sst s25  }
0xa6: {  	s5 =	sshll.u32 s26, $0x1;
	_ =	strace $0x80000046;
	[dreg:$0x1] =	wrdreg $0xFFFFFFFF  }
0xa7: {  	s28 =	simm.s32 $_size_execute0_lowered;
	s3 =	sadd.s32 s3, s5;
	[dreg:$0x0] =	wrdreg $0x0  }
0xa8: {  	s5 =	sshll.u32 s28, $0x1;
	[dreg:$0x2] =	wrdreg s3  }
0xa9: {  	[dreg:$0x3] =	wrdreg s5  }
0xaa: {  	[dreg:$0x4] =	wrdreg $0xC0  }
0xab: {  	_ =	task [dreg:s7], $0x5FFFF  }
0xac: {  	[dreg:$0x1] =	wrdreg $0xFFFFFFFF  }
0xad: {  	[dreg:$0x0] =	wrdreg $0x60  }
0xae: {  	[dreg:$0x2] =	wrdreg s24  }
0xaf: {  	[dreg:$0x3] =	wrdreg s2  }
0xb0: {  	[dreg:$0x4] =	wrdreg $0x9  }
0xb1: {  	_ =	task.clear_ibuf [dreg:s7], $0x5FFFF;
	_ =	strace $0x90000046  }
0xb2: {  	s29 =	simm.s32 $0x9;
	_ =	strace $0x80000048  }
0xb3: {  	_ =	swait.ge [sflag:s29], $0x1  }
0xb4: {  	[sflag:s29] =	ssyncadd.s32 $0xFFFFFFFF  }
0xb5: {  	_ =	strace $0x90000048  }
0xb6: {  	_ =	sfence  }
0xb7: {  	s30 =	sld [smem:$0x0];
	_ =	sdelay $0x2  }
0xb8: {  	s31 =	sshll.u32 s1, $0xD;
	s1 =	sshrl.u32 s1, $0x2  }
0xb9: {  	s3 =	sand.u32 $0x4000, s31;
	s1 =	sadd.s32 s1, s30  }
0xba: {  	s0 =	sor.u32 s3, s0;
	s1 =	sshll.u32 s1, $0x11  }
0xbb: {  	s0 =	sor.u32 s1, s0  }
0xbc: {  	s0 =	sadd.s32 $0x8F2B, s0  }
0xbd: {  	[sflag:s0] =	ssyncadd.remote.s32 $0x1  }
0xbe: {  	_ =	sfence.sel $0xFFFF  }
0xbf: {  	[dreg:$0x0] =	wrdreg $0xFFFFFFFF;
	(pc) =	sbr.abs _section_cstart, $3  }
0xc0: {  	[dreg:$0x1] =	wrdreg $0xFFFFFFFF  }
0xc1: {  	_ =	task.clear_ibuf [dreg:s7], $0x2FFFF;
	_ =	strace $0x9FFFFFFF  }
0xc2: {  	(tm) =	ssettm $0x7FFFFFFF  }
0xc3: {  	_ =	shalt  }
tec
execute0_lowered:
.L_overlay_start_1:
0x0: {  	(tag) =	ssettag $0x1  }
0x1: {  	v0 =	vlaneseq.u32  }
0x2: {  	v0 =	vmul.u32 $0x30, v0;
	_ =	sdelay $0x1  }
0x3: {  	v1 =	vor.u32 $0x1, v0;
	v2 =	vor.u32 $0x2, v0;
	v3 =	vor.u32 $0x3, v0  }
0x4: {  	s7 =	rddreg [dreg:$0x0];
	v4 =	vor.u32 $0x4, v0;
	v5 =	vor.u32 $0x6, v0;
	v6 =	vor.u32 $0x7, v0  }
0x5: {  	s10 =	rddreg [dreg:$0x1];
	v7 =	vor.u32 $0x8, v0;
	v8 =	vor.u32 $0x9, v0;
	v9 =	vor.u32 $0xA, v0  }
0x6: {  	s0 =	rddreg [dreg:$0x2];
	s1 =	simm.s32 $0x0;
	s8 =	srdreg.scid;
	v10 =	vor.u32 $0xC, v0;
	v11 =	vor.u32 $0xD, v0;
	v12 =	vor.u32 $0xE, v0  }
0x7: {  	s4 =	stileid.u32;
	s14 =	simm.s32 $0x190;
	s15 =	simm.s32 $0x13BA0;
	v13 =	vor.u32 $0xF, v0;
	v14 =	vadd.s32 $0x10, v0;
	v15 =	vadd.s32 $0x12, v0  }
0x8: {  	s16 =	simm.s32 $0x1;
	s17 =	simm.s32 $0x186A0;
	s18 =	simm.s32 $0x19320;
	v16 =	vadd.s32 $0x13, v0;
	v17 =	vadd.s32 $0x14, v0;
	v18 =	vadd.s32 $0x15, v0  }
0x9: {  	s19 =	simm.s32 $0x0;
	[smem:$0x7FF] =	sst s1;
	s2 =	sadd.s32 $0x1000, s7;
	v19 =	vadd.s32 $0x16, v0;
	v20 =	vadd.s32 $0x18, v0;
	v21 =	vadd.s32 $0x19, v0  }
0xa: {  	s3 =	sadd.s32 $0x37000, s7;
	s5 =	sadd.s32 $0x23600, s7;
	s6 =	sadd.s32 $0xFC00, s7;
	v22 =	vadd.s32 $0x1A, v0;
	v23 =	vadd.s32 $0x1B, v0;
	v24 =	vadd.s32 $0x1C, v0  }
0xb: {  	s8 =	sand.u32 $0x1, s8;
	s9 =	sshll.u32 s4, $0x1;
	s7 =	sadd.s32 $0x39800, s7;
	v25 =	vadd.s32 $0x1E, v0;
	v26 =	vadd.s32 $0x1F, v0;
	v27 =	vadd.s32 $0x20, v0  }
0xc: {  	_ =	strace $0x80000047;
	s11 =	ssub.s32 $0x2, s8;
	s9 =	sor.u32 s8, s9;
	v28 =	vadd.s32 $0x21, v0;
	v29 =	vadd.s32 $0x22, v0;
	v30 =	vadd.s32 $0x24, v0  }
0xd: {  	s12 =	sshrl.u32 s11, $0x1;
	s8 =	smul.u32 $0x4E20, s9;
	s13 =	sshll.u32 s9, $0x4;
	v31 =	vadd.s32 $0x25, v0;
	v32 =	vadd.s32 $0x26, v0;
	v33 =	vadd.s32 $0x27, v0  }
0xe: {  	s9 =	smul.u32 $0x27100, s9;
	v34 =	vadd.s32 $0x28, v0;
	v35 =	vadd.s32 $0x2A, v0;
	v36 =	vadd.s32 $0x2B, v0;
	s11 =	ssub.s32 s11, s12;
	s10 =	sadd.s32 s10, s13  }
0xf: {  	v37 =	vadd.s32 $0x2C, v0;
	v38 =	vadd.s32 $0x2D, v0;
	v39 =	vadd.s32 $0x2E, v0;
	s12 =	simm.s32 $0x2;
	s13 =	simm.s32 $0x13880;
	s11 =	smax.u32 s11, $0x1  }
.LBB2_1:
0x10: {  	[tilespmem:s1], [sflag:$0x2] =	stream.linear.gather [hbm4b:s3+s1], $0x13880, $0x38;
	[tilespmem:$0x193A0] =	vst v63  }
0x11: {  	v40 =	vimm.f32 $-3.000000010e+38;
	v41 =	vimm.f32 $-3.000000010e+38;
	_ =	swait.ge [sflag:s12], $0x13880  }
0x12: {  	v42 =	vimm.f32 $-3.000000010e+38;
	v43 =	vimm.f32 $-3.000000010e+38;
	v44 =	vimm.f32 $-3.000000010e+38;
	[sflag:s12] =	ssyncset.done $0x0  }
0x13: {  	v45 =	vimm.f32 $-3.000000010e+38;
	v46 =	vimm.f32 $-3.000000010e+38;
	v47 =	vimm.f32 $-3.000000010e+38;
	s20 =	simm.s32 $0x0;
	[sflag:s12] =	ssyncadd.s32 $0xFFFEC780  }
.LBB2_2:
0x14: {  	s21 =	smul.u32 $0x190, s20;
	_ =	sdelay $0x1  }
0x15: {  	s21 =	sadd.s32 s8, s21  }
0x16: {  	s21 =	sshrl.u32 s21, $0x3  }
0x17: {  	s23 =	simm.s32 $0x0;
	s22 =	sadd.s32 s5, s21  }
0x18: {  	[tilespmem:s13], [sflag:$0x2] =	stream.linear.gather [hbm4b:s22+s23], $0x190, $0x38;
	[tilespmem:$0x193A0] =	vst v63  }
0x19: {  	_ =	swait.ge [sflag:s12], $0x190  }
0x1a: {  	[sflag:s12] =	ssyncset.done $0x0  }
0x1b: {  	s31 =	sadd.s32 s6, s21;
	s21 =	simm.s32 $0x13A10;
	[sflag:s12] =	ssyncadd.s32 $0xFFFFFE70  }
0x1c: {  	[tilespmem:s21], [sflag:$0x2] =	stream.linear.gather [hbm4b:s31+s23], $0x190, $0x38;
	[tilespmem:$0x193A0] =	vst v63  }
0x1d: {  	_ =	swait.ge [sflag:s12], $0x190  }
0x1e: {  	[sflag:s12] =	ssyncset.done $0x0  }
0x1f: {  	[sflag:s12] =	ssyncadd.s32 $0xFFFFFE70  }
0x20: {  	[tilespmem:s15], [sflag:$0x1] =	stream.indirect.gather [hbm4b:s2+s14], $0x30, s13, s14, $0xb8;
	[tilespmem:$0x193A0] =	vst v63  }
0x21: {  	_ =	swait.ge [sflag:s16], $0x4B00  }
0x22: {  	v48 =	vmov s23;
	[sflag:s16] =	ssyncset.done $0x0  }
0x23: {  	v48 =	vmul.u32 $0x30, v48;
	[sflag:s16] =	ssyncadd.s32 $0xFFFFB500  }
0x24: {  	v49 =	vld [tilespmem:s21+$0x0]  }
0x25: {  	v53 =	vbroadcast v48, $0x0;
	_ =	sdelay $0x1  }
0x26: {  	v48 =	vadd.s32 v1, v53  }
0x27: {  	v50 =	vadd.s32 v0, v53  }
0x28: {  	v51 =	vshll.u32 v49, $0x3  }
0x29: {  	v49 =	vor.u32 $0x1, v51  }
0x2a: {  	v52 =	vadd.s32 v2, v53  }
0x2b: {  	v55 =	vld.idx.msk [tilespmem:v48+s15+$0x0], $0xffff;
	v54 =	vor.u32 $0x2, v51  }
0x2c: {  	v56 =	vadd.s32 v3, v53;
	v57 =	vld.idx.msk [tilespmem:v50+s15+$0x0], $0xffff  }
0x2d: {  	v50 =	vor.u32 $0x3, v51;
	v48 =	vld.idx.msk [tilespmem:v51+s1+$0x0], $0xffff  }
0x2e: {  	v58 =	vadd.s32 v4, v53;
	v49 =	vld.idx.msk [tilespmem:v49+s1+$0x0], $0xffff  }
0x2f: {  	v60 =	vld.idx.msk [tilespmem:v52+s15+$0x0], $0xffff;
	v59 =	vor.u32 $0x4, v51  }
0x30: {  	v51 =	vld.idx.msk [tilespmem:v54+s1+$0x0], $0xffff  }
0x31: {  	v61 =	vld.idx.msk [tilespmem:v56+s15+$0x0], $0xffff  }
0x32: {  	v50 =	vld.idx.msk [tilespmem:v50+s1+$0x0], $0xffff  }
0x33: {  	v63 =	vld.idx.msk [tilespmem:v58+s15+$0x0], $0xffff;
	v62 =	vmul.f32 v57, v48;
	v55 =	vmul.f32 v55, v49  }
0x34: {  	v52 =	vld.idx.msk [tilespmem:v59+s1+$0x0], $0xffff  }
0x35: {  	v60 =	vmul.f32 v60, v51;
	v55 =	vadd.f32 v55, v62;
	_ =	sdelay $0x1  }
0x36: {  	v54 =	vmul.f32 v61, v50;
	v55 =	vadd.f32 v60, v55;
	_ =	sdelay $0x1  }
0x37: {  	v61 =	vmul.f32 v63, v52;
	v62 =	vadd.s32 v5, v53;
	v54 =	vadd.f32 v54, v55  }
0x38: {  	v63 =	vadd.s32 v6, v53  }
0x39: {  	v55 =	vadd.f32 v61, v54  }
0x3a: {  	s22 =	simm.s32 $0x18CE0;
	v60 =	vadd.s32 v7, v53  }
0x3b: {  	[tilespmem:s22+$0xFFFFF9C0] =	vst v55  }
0x3c: {  	v61 =	vadd.s32 v8, v53;
	v56 =	vld.idx.msk [tilespmem:v62+s15+$0x0], $0xffff  }
0x3d: {  	v57 =	vld.idx.msk [tilespmem:v63+s15+$0x0], $0xffff  }
0x3e: {  	v62 =	vadd.s32 v9, v53  }
0x3f: {  	v54 =	vld.idx.msk [tilespmem:v60+s15+$0x0], $0xffff;
	_ =	sdelay $0x1  }
0x40: {  	v58 =	vld.idx.msk [tilespmem:v61+s15+$0x0], $0xffff  }
0x41: {  	v56 =	vmul.f32 v56, v48;
	v57 =	vmul.f32 v57, v49  }
0x42: {  	v59 =	vld.idx.msk [tilespmem:v62+s15+$0x0], $0xffff  }
0x43: {  	v54 =	vmul.f32 v54, v51;
	v56 =	vadd.f32 v57, v56;
	_ =	sdelay $0x1  }
0x44: {  	v63 =	vmul.f32 v58, v50;
	v54 =	vadd.f32 v54, v56;
	_ =	sdelay $0x1  }
0x45: {  	v61 =	vadd.s32 v10, v53;
	v60 =	vmul.f32 v59, v52;
	v54 =	vadd.f32 v63, v54  }
0x46: {  	v62 =	vadd.s32 v11, v53  }
0x47: {  	v63 =	vadd.f32 v60, v54  }
0x48: {  	v54 =	vadd.s32 v12, v53  }
0x49: {  	[tilespmem:s22+$0xFFFFFB50] =	vst v63  }
0x4a: {  	v59 =	vadd.s32 v13, v53;
	v57 =	vld.idx.msk [tilespmem:v61+s15+$0x0], $0xffff  }
0x4b: {  	v58 =	vld.idx.msk [tilespmem:v62+s15+$0x0], $0xffff  }
0x4c: {  	v60 =	vadd.s32 v14, v53  }
0x4d: {  	v54 =	vld.idx.msk [tilespmem:v54+s15+$0x0], $0xffff;
	_ =	sdelay $0x1  }
0x4e: {  	v59 =	vld.idx.msk [tilespmem:v59+s15+$0x0], $0xffff  }
0x4f: {  	v57 =	vmul.f32 v57, v48;
	v58 =	vmul.f32 v58, v49  }
0x50: {  	v60 =	vld.idx.msk [tilespmem:v60+s15+$0x0], $0xffff  }
0x51: {  	v57 =	vadd.f32 v58, v57;
	v54 =	vmul.f32 v54, v51;
	_ =	sdelay $0x1  }
0x52: {  	[tilespmem:$0x1FFD0] =	vst v55;
	v55 =	vmul.f32 v59, v50;
	v54 =	vadd.f32 v54, v57;
	_ =	sdelay $0x1  }
0x53: {  	v61 =	vadd.s32 v15, v53;
	v60 =	vmul.f32 v60, v52;
	v54 =	vadd.f32 v55, v54  }
0x54: {  	v59 =	vadd.s32 v16, v53  }
0x55: {  	v62 =	vadd.f32 v60, v54  }
0x56: {  	v54 =	vadd.s32 v17, v53  }
0x57: {  	[tilespmem:s22+$0xFFFFFCE0] =	vst v62  }
0x58: {  	v60 =	vadd.s32 v18, v53;
	v58 =	vld.idx.msk [tilespmem:v61+s15+$0x0], $0xffff  }
0x59: {  	v59 =	vld.idx.msk [tilespmem:v59+s15+$0x0], $0xffff  }
0x5a: {  	v61 =	vadd.s32 v19, v53  }
0x5b: {  	v54 =	vld.idx.msk [tilespmem:v54+s15+$0x0], $0xffff;
	_ =	sdelay $0x1  }
0x5c: {  	v60 =	vld.idx.msk [tilespmem:v60+s15+$0x0], $0xffff  }
0x5d: {  	v58 =	vmul.f32 v58, v48;
	v59 =	vmul.f32 v59, v49  }
0x5e: {  	v61 =	vld.idx.msk [tilespmem:v61+s15+$0x0], $0xffff  }
0x5f: {  	v58 =	vadd.f32 v59, v58;
	v54 =	vmul.f32 v54, v51;
	_ =	sdelay $0x1  }
0x60: {  	[tilespmem:$0x1FFE0] =	vst v63;
	v63 =	vmul.f32 v60, v50;
	v54 =	vadd.f32 v54, v58;
	_ =	sdelay $0x1  }
0x61: {  	v59 =	vadd.s32 v20, v53;
	v55 =	vmul.f32 v61, v52;
	v54 =	vadd.f32 v63, v54  }
0x62: {  	v60 =	vadd.s32 v21, v53  }
0x63: {  	v58 =	vadd.f32 v55, v54  }
0x64: {  	v54 =	vadd.s32 v22, v53  }
0x65: {  	[tilespmem:s22+$0xFFFFFE70] =	vst v58  }
0x66: {  	v57 =	vadd.s32 v23, v53;
	v59 =	vld.idx.msk [tilespmem:v59+s15+$0x0], $0xffff  }
0x67: {  	v60 =	vld.idx.msk [tilespmem:v60+s15+$0x0], $0xffff  }
0x68: {  	[tilespmem:$0x1FFF0] =	vst v62;
	v62 =	vadd.s32 v24, v53  }
0x69: {  	v54 =	vld.idx.msk [tilespmem:v54+s15+$0x0], $0xffff;
	_ =	sdelay $0x1  }
0x6a: {  	v61 =	vld.idx.msk [tilespmem:v57+s15+$0x0], $0xffff  }
0x6b: {  	v59 =	vmul.f32 v59, v48;
	v60 =	vmul.f32 v60, v49  }
0x6c: {  	v62 =	vld.idx.msk [tilespmem:v62+s15+$0x0], $0xffff  }
0x6d: {  	v59 =	vadd.f32 v60, v59;
	v54 =	vmul.f32 v54, v51;
	_ =	sdelay $0x1  }
0x6e: {  	v63 =	vmul.f32 v61, v50;
	v54 =	vadd.f32 v54, v59;
	_ =	sdelay $0x1  }
0x6f: {  	v55 =	vmul.f32 v62, v52;
	v60 =	vadd.s32 v26, v53;
	v54 =	vadd.f32 v63, v54  }
0x70: {  	v61 =	vadd.s32 v25, v53  }
0x71: {  	v59 =	vadd.f32 v55, v54  }
0x72: {  	v54 =	vadd.s32 v27, v53  }
0x73: {  	[tilespmem:s22+$0x0] =	vst v59  }
0x74: {  	v57 =	vadd.s32 v28, v53;
	v60 =	vld.idx.msk [tilespmem:v60+s15+$0x0], $0xffff  }
0x75: {  	v61 =	vld.idx.msk [tilespmem:v61+s15+$0x0], $0xffff  }
0x76: {  	v63 =	vadd.s32 v29, v53  }
0x77: {  	v54 =	vld.idx.msk [tilespmem:v54+s15+$0x0], $0xffff;
	_ =	sdelay $0x1  }
0x78: {  	v62 =	vld.idx.msk [tilespmem:v57+s15+$0x0], $0xffff  }
0x79: {  	v60 =	vmul.f32 v60, v49;
	v61 =	vmul.f32 v61, v48  }
0x7a: {  	v63 =	vld.idx.msk [tilespmem:v63+s15+$0x0], $0xffff  }
0x7b: {  	v54 =	vmul.f32 v54, v51;
	v60 =	vadd.f32 v60, v61;
	_ =	sdelay $0x1  }
0x7c: {  	v57 =	vmul.f32 v62, v50;
	v54 =	vadd.f32 v54, v60;
	_ =	sdelay $0x1  }
0x7d: {  	v61 =	vadd.s32 v30, v53;
	v60 =	vmul.f32 v63, v52;
	v54 =	vadd.f32 v57, v54  }
0x7e: {  	v57 =	vadd.s32 v31, v53  }
0x7f: {  	v60 =	vadd.f32 v60, v54  }
0x80: {  	v55 =	vadd.s32 v32, v53  }
0x81: {  	[tilespmem:s22+$0x190] =	vst v60  }
0x82: {  	v63 =	vadd.s32 v33, v53;
	v61 =	vld.idx.msk [tilespmem:v61+s15+$0x0], $0xffff  }
0x83: {  	v62 =	vld.idx.msk [tilespmem:v57+s15+$0x0], $0xffff  }
0x84: {  	v57 =	vadd.s32 v34, v53  }
0x85: {  	v55 =	vld.idx.msk [tilespmem:v55+s15+$0x0], $0xffff;
	_ =	sdelay $0x1  }
0x86: {  	v63 =	vld.idx.msk [tilespmem:v63+s15+$0x0], $0xffff  }
0x87: {  	v61 =	vmul.f32 v61, v48;
	v62 =	vmul.f32 v62, v49  }
0x88: {  	v54 =	vld.idx.msk [tilespmem:v57+s15+$0x0], $0xffff  }
0x89: {  	v55 =	vmul.f32 v55, v51;
	v61 =	vadd.f32 v62, v61;
	_ =	sdelay $0x1  }
0x8a: {  	v57 =	vmul.f32 v63, v50;
	v55 =	vadd.f32 v55, v61;
	_ =	sdelay $0x1  }
0x8b: {  	v61 =	vadd.s32 v35, v53;
	v54 =	vmul.f32 v54, v52;
	v55 =	vadd.f32 v57, v55;
	_ =	sdelay $0x1  }
0x8c: {  	v63 =	vadd.f32 v54, v55;
	_ =	sdelay $0x1  }
0x8d: {  	v56 =	vadd.s32 v38, v53;
	[tilespmem:s22+$0x320] =	vst v63  }
0x8e: {  	v62 =	vadd.s32 v36, v53;
	v57 =	vadd.s32 v39, v53;
	v55 =	vadd.s32 v37, v53;
	v53 =	vld.idx.msk [tilespmem:v61+s15+$0x0], $0xffff  }
0x8f: {  	v61 =	vld [tilespmem:$0x1FFD0];
	_ =	sdelay $0x4  }
0x90: {  	v47 =	vmax.f32 v47, v61;
	v61 =	vld [tilespmem:$0x1FFE0];
	_ =	sdelay $0x4  }
0x91: {  	v46 =	vmax.f32 v46, v61;
	v61 =	vld [tilespmem:$0x1FFF0];
	_ =	sdelay $0x1  }
0x92: {  	v54 =	vld.idx.msk [tilespmem:v62+s15+$0x0], $0xffff  }
0x93: {  	v56 =	vld.idx.msk [tilespmem:v56+s15+$0x0], $0xffff  }
0x94: {  	v44 =	vmax.f32 v44, v58;
	v43 =	vmax.f32 v43, v59;
	v55 =	vld.idx.msk [tilespmem:v55+s15+$0x0], $0xffff  }
0x95: {  	s25 =	simm.s32 $0x10;
	s23 =	simm.s32 $0x18CE0;
	v42 =	vmax.f32 v42, v60;
	v41 =	vmax.f32 v41, v63;
	v57 =	vld.idx.msk [tilespmem:v57+s15+$0x0], $0xffff;
	v45 =	vmax.f32 v45, v61  }
.LBB2_3:
0x96: {  	s24 =	smov.u32 s25  }
0x97: {  	v58 =	vmov s25;
	s21 =	sadd.s32 $0x10, s21;
	s22 =	sadd.s32 $0x10, s22;
	s24 =	sadd.s32 $0x10, s25  }
0x98: {  	p0 =	sne.s32 s25, $0x180;
	v48 =	vmul.f32 v53, v48;
	v58 =	vmul.u32 $0x30, v58;
	v49 =	vmul.f32 v54, v49  }
0x99: {  	v51 =	vmul.f32 v55, v51  }
0x9a: {  	v53 =	vbroadcast v58, $0x0;
	v48 =	vadd.f32 v49, v48;
	v49 =	vmul.f32 v56, v50  }
0x9b: {  	v50 =	vmul.f32 v57, v52  }
0x9c: {  	v48 =	vadd.f32 v51, v48;
	_ =	sdelay $0x1  }
0x9d: {  	v48 =	vadd.f32 v49, v48;
	_ =	sdelay $0x1  }
0x9e: {  	v48 =	vadd.f32 v50, v48;
	_ =	sdelay $0x1  }
0x9f: {  	v40 =	vmax.f32 v40, v48;
	[tilespmem:s23+$0x4B0] =	vst v48;
	s23 =	smov.u32 s22  }
0xa0: {  	v48 =	vld [tilespmem:s21+$0x0]  }
0xa1: {  	v49 =	vadd.s32 v2, v53  }
0xa2: {  	v50 =	vadd.s32 v3, v53  }
0xa3: {  	v51 =	vadd.s32 v1, v53  }
0xa4: {  	v52 =	vadd.s32 v0, v53  }
0xa5: {  	v48 =	vshll.u32 v48, $0x3  }
0xa6: {  	v54 =	vor.u32 $0x1, v48;
	v55 =	vor.u32 $0x2, v48;
	v56 =	vor.u32 $0x4, v48;
	v57 =	vld.idx.msk [tilespmem:v49+s15+$0x0], $0xffff  }
0xa7: {  	v58 =	vor.u32 $0x3, v48;
	v59 =	vld.idx.msk [tilespmem:v50+s15+$0x0], $0xffff  }
0xa8: {  	v60 =	vld.idx.msk [tilespmem:v51+s15+$0x0], $0xffff  }
0xa9: {  	v52 =	vld.idx.msk [tilespmem:v52+s15+$0x0], $0xffff  }
0xaa: {  	v48 =	vld.idx.msk [tilespmem:v48+s1+$0x0], $0xffff  }
0xab: {  	v49 =	vld.idx.msk [tilespmem:v54+s1+$0x0], $0xffff;
	v54 =	vadd.s32 v4, v53  }
0xac: {  	v50 =	vld.idx.msk [tilespmem:v58+s1+$0x0], $0xffff  }
0xad: {  	v51 =	vld.idx.msk [tilespmem:v55+s1+$0x0], $0xffff;
	_ =	sdelay $0x2  }
0xae: {  	v55 =	vmul.f32 v52, v48;
	v54 =	vld.idx.msk [tilespmem:v54+s15+$0x0], $0xffff  }
0xaf: {  	v52 =	vld.idx.msk [tilespmem:v56+s1+$0x0], $0xffff;
	v56 =	vmul.f32 v60, v49  }
0xb0: {  	v58 =	vmul.f32 v59, v50  }
0xb1: {  	v55 =	vadd.f32 v56, v55;
	v56 =	vmul.f32 v57, v51;
	_ =	sdelay $0x1  }
0xb2: {  	v55 =	vadd.f32 v56, v55;
	_ =	sdelay $0x1  }
0xb3: {  	v56 =	vadd.s32 v5, v53;
	v54 =	vmul.f32 v54, v52;
	v55 =	vadd.f32 v58, v55  }
0xb4: {  	v57 =	vadd.s32 v6, v53  }
0xb5: {  	v54 =	vadd.f32 v54, v55  }
0xb6: {  	v55 =	vadd.s32 v7, v53  }
0xb7: {  	[tilespmem:s22+$0xFFFFF9C0] =	vst v54;
	v47 =	vmax.f32 v47, v54  }
0xb8: {  	v54 =	vld.idx.msk [tilespmem:v56+s15+$0x0], $0xffff;
	v56 =	vadd.s32 v8, v53  }
0xb9: {  	v57 =	vld.idx.msk [tilespmem:v57+s15+$0x0], $0xffff  }
0xba: {  	v58 =	vadd.s32 v9, v53  }
0xbb: {  	v55 =	vld.idx.msk [tilespmem:v55+s15+$0x0], $0xffff;
	_ =	sdelay $0x1  }
0xbc: {  	v56 =	vld.idx.msk [tilespmem:v56+s15+$0x0], $0xffff  }
0xbd: {  	v54 =	vmul.f32 v54, v48  }
0xbe: {  	v57 =	vmul.f32 v57, v49;
	v58 =	vld.idx.msk [tilespmem:v58+s15+$0x0], $0xffff;
	_ =	sdelay $0x1  }
0xbf: {  	v54 =	vadd.f32 v57, v54;
	v55 =	vmul.f32 v55, v51;
	_ =	sdelay $0x1  }
0xc0: {  	v54 =	vadd.f32 v55, v54;
	v55 =	vmul.f32 v56, v50;
	_ =	sdelay $0x1  }
0xc1: {  	v56 =	vadd.s32 v10, v53;
	v54 =	vadd.f32 v55, v54;
	v55 =	vmul.f32 v58, v52  }
0xc2: {  	v57 =	vadd.s32 v11, v53  }
0xc3: {  	v54 =	vadd.f32 v55, v54  }
0xc4: {  	v55 =	vadd.s32 v12, v53  }
0xc5: {  	v46 =	vmax.f32 v46, v54;
	[tilespmem:s22+$0xFFFFFB50] =	vst v54  }
0xc6: {  	v54 =	vld.idx.msk [tilespmem:v56+s15+$0x0], $0xffff;
	v56 =	vadd.s32 v13, v53  }
0xc7: {  	v57 =	vld.idx.msk [tilespmem:v57+s15+$0x0], $0xffff  }
0xc8: {  	v58 =	vadd.s32 v14, v53  }
0xc9: {  	v55 =	vld.idx.msk [tilespmem:v55+s15+$0x0], $0xffff;
	_ =	sdelay $0x1  }
0xca: {  	v56 =	vld.idx.msk [tilespmem:v56+s15+$0x0], $0xffff  }
0xcb: {  	v54 =	vmul.f32 v54, v48  }
0xcc: {  	v57 =	vmul.f32 v57, v49;
	v58 =	vld.idx.msk [tilespmem:v58+s15+$0x0], $0xffff;
	_ =	sdelay $0x1  }
0xcd: {  	v54 =	vadd.f32 v57, v54;
	v55 =	vmul.f32 v55, v51;
	_ =	sdelay $0x1  }
0xce: {  	v54 =	vadd.f32 v55, v54;
	v55 =	vmul.f32 v56, v50;
	_ =	sdelay $0x1  }
0xcf: {  	v56 =	vadd.s32 v15, v53;
	v54 =	vadd.f32 v55, v54;
	v55 =	vmul.f32 v58, v52  }
0xd0: {  	v57 =	vadd.s32 v16, v53  }
0xd1: {  	v54 =	vadd.f32 v55, v54  }
0xd2: {  	v55 =	vadd.s32 v17, v53  }
0xd3: {  	v45 =	vmax.f32 v45, v54;
	[tilespmem:s22+$0xFFFFFCE0] =	vst v54  }
0xd4: {  	v54 =	vld.idx.msk [tilespmem:v56+s15+$0x0], $0xffff;
	v56 =	vadd.s32 v18, v53  }
0xd5: {  	v57 =	vld.idx.msk [tilespmem:v57+s15+$0x0], $0xffff  }
0xd6: {  	v58 =	vadd.s32 v19, v53  }
0xd7: {  	v55 =	vld.idx.msk [tilespmem:v55+s15+$0x0], $0xffff;
	_ =	sdelay $0x1  }
0xd8: {  	v56 =	vld.idx.msk [tilespmem:v56+s15+$0x0], $0xffff  }
0xd9: {  	v54 =	vmul.f32 v54, v48  }
0xda: {  	v57 =	vmul.f32 v57, v49;
	v58 =	vld.idx.msk [tilespmem:v58+s15+$0x0], $0xffff;
	_ =	sdelay $0x1  }
0xdb: {  	v54 =	vadd.f32 v57, v54;
	v55 =	vmul.f32 v55, v51;
	_ =	sdelay $0x1  }
0xdc: {  	v54 =	vadd.f32 v55, v54;
	v55 =	vmul.f32 v56, v50;
	_ =	sdelay $0x1  }
0xdd: {  	v56 =	vadd.s32 v20, v53;
	v54 =	vadd.f32 v55, v54;
	v55 =	vmul.f32 v58, v52  }
0xde: {  	v57 =	vadd.s32 v21, v53  }
0xdf: {  	v54 =	vadd.f32 v55, v54  }
0xe0: {  	v55 =	vadd.s32 v22, v53  }
0xe1: {  	v44 =	vmax.f32 v44, v54;
	[tilespmem:s22+$0xFFFFFE70] =	vst v54  }
0xe2: {  	v54 =	vld.idx.msk [tilespmem:v56+s15+$0x0], $0xffff;
	v56 =	vadd.s32 v23, v53  }
0xe3: {  	v57 =	vld.idx.msk [tilespmem:v57+s15+$0x0], $0xffff  }
0xe4: {  	v58 =	vadd.s32 v24, v53  }
0xe5: {  	v55 =	vld.idx.msk [tilespmem:v55+s15+$0x0], $0xffff;
	_ =	sdelay $0x1  }
0xe6: {  	v56 =	vld.idx.msk [tilespmem:v56+s15+$0x0], $0xffff  }
0xe7: {  	v54 =	vmul.f32 v54, v48  }
0xe8: {  	v57 =	vmul.f32 v57, v49;
	v58 =	vld.idx.msk [tilespmem:v58+s15+$0x0], $0xffff;
	_ =	sdelay $0x1  }
0xe9: {  	v54 =	vadd.f32 v57, v54;
	v55 =	vmul.f32 v55, v51;
	_ =	sdelay $0x1  }
0xea: {  	v54 =	vadd.f32 v55, v54;
	v55 =	vmul.f32 v56, v50;
	_ =	sdelay $0x1  }
0xeb: {  	v56 =	vadd.s32 v26, v53;
	v54 =	vadd.f32 v55, v54;
	v55 =	vmul.f32 v58, v52  }
0xec: {  	v57 =	vadd.s32 v25, v53  }
0xed: {  	v54 =	vadd.f32 v55, v54;
	v55 =	vadd.s32 v27, v53  }
0xee: {  	v58 =	vadd.s32 v28, v53  }
0xef: {  	v43 =	vmax.f32 v43, v54;
	[tilespmem:s22+$0x0] =	vst v54;
	v54 =	vadd.s32 v29, v53  }
0xf0: {  	v56 =	vld.idx.msk [tilespmem:v56+s15+$0x0], $0xffff  }
0xf1: {  	v57 =	vld.idx.msk [tilespmem:v57+s15+$0x0], $0xffff  }
0xf2: {  	v55 =	vld.idx.msk [tilespmem:v55+s15+$0x0], $0xffff  }
0xf3: {  	v58 =	vld.idx.msk [tilespmem:v58+s15+$0x0], $0xffff  }
0xf4: {  	v54 =	vld.idx.msk [tilespmem:v54+s15+$0x0], $0xffff;
	_ =	sdelay $0x1  }
0xf5: {  	v56 =	vmul.f32 v56, v49  }
0xf6: {  	v57 =	vmul.f32 v57, v48  }
0xf7: {  	v55 =	vmul.f32 v55, v51  }
0xf8: {  	v56 =	vadd.f32 v56, v57;
	v57 =	vmul.f32 v58, v50  }
0xf9: {  	v54 =	vmul.f32 v54, v52  }
0xfa: {  	v55 =	vadd.f32 v55, v56;
	_ =	sdelay $0x1  }
0xfb: {  	v56 =	vadd.s32 v30, v53;
	v55 =	vadd.f32 v57, v55  }
0xfc: {  	v57 =	vadd.s32 v31, v53  }
0xfd: {  	v54 =	vadd.f32 v54, v55;
	v55 =	vadd.s32 v32, v53  }
0xfe: {  	v58 =	vadd.s32 v33, v53  }
0xff: {  	v42 =	vmax.f32 v42, v54;
	[tilespmem:s22+$0x190] =	vst v54;
	v54 =	vadd.s32 v34, v53  }
0x100: {  	v56 =	vld.idx.msk [tilespmem:v56+s15+$0x0], $0xffff  }
0x101: {  	v57 =	vld.idx.msk [tilespmem:v57+s15+$0x0], $0xffff  }
0x102: {  	v55 =	vld.idx.msk [tilespmem:v55+s15+$0x0], $0xffff  }
0x103: {  	v58 =	vld.idx.msk [tilespmem:v58+s15+$0x0], $0xffff  }
0x104: {  	v54 =	vld.idx.msk [tilespmem:v54+s15+$0x0], $0xffff;
	_ =	sdelay $0x1  }
0x105: {  	v56 =	vmul.f32 v56, v48  }
0x106: {  	v57 =	vmul.f32 v57, v49  }
0x107: {  	v55 =	vmul.f32 v55, v51  }
0x108: {  	v56 =	vadd.f32 v57, v56;
	v57 =	vmul.f32 v58, v50  }
0x109: {  	v54 =	vmul.f32 v54, v52  }
0x10a: {  	v55 =	vadd.f32 v55, v56;
	_ =	sdelay $0x1  }
0x10b: {  	v56 =	vadd.s32 v35, v53;
	v55 =	vadd.f32 v57, v55  }
0x10c: {  	v57 =	vadd.s32 v36, v53  }
0x10d: {  	v54 =	vadd.f32 v54, v55;
	v55 =	vadd.s32 v37, v53  }
0x10e: {  	v58 =	vadd.s32 v38, v53  }
0x10f: {  	v59 =	vadd.s32 v39, v53;
	v41 =	vmax.f32 v41, v54;
	[tilespmem:s22+$0x320] =	vst v54  }
.Ltmp0:
0x110: {  	v53 =	vld.idx.msk [tilespmem:v56+s15+$0x0], $0xffff;
	(pc) =	sbr.rel @p0 .LBB2_3-.Ltmp0, $4  }
0x111: {  	v54 =	vld.idx.msk [tilespmem:v57+s15+$0x0], $0xffff  }
0x112: {  	v55 =	vld.idx.msk [tilespmem:v55+s15+$0x0], $0xffff  }
0x113: {  	v56 =	vld.idx.msk [tilespmem:v58+s15+$0x0], $0xffff  }
0x114: {  	s25 =	smov.u32 s24;
	v57 =	vld.idx.msk [tilespmem:v59+s15+$0x0], $0xffff  }
0x115: {  	_ = 	snop  }
0x116: {  	v48 =	vmul.f32 v53, v48;
	v49 =	vmul.f32 v54, v49;
	_ =	sdelay $0x1  }
0x117: {  	v51 =	vmul.f32 v55, v51;
	v48 =	vadd.f32 v49, v48;
	_ =	sdelay $0x1  }
0x118: {  	v62 =	vmul.f32 v56, v50;
	v48 =	vadd.f32 v51, v48;
	_ =	sdelay $0x1  }
0x119: {  	s21 =	smul.u32 $0xC80, s20;
	v63 =	vmul.f32 v57, v52;
	v48 =	vadd.f32 v62, v48;
	_ =	sdelay $0x1  }
0x11a: {  	s20 =	sadd.s32 $0x1, s20;
	s21 =	sadd.s32 s9, s21;
	v48 =	vadd.f32 v63, v48  }
0x11b: {  	p0 =	sne.s32 s20, $0x32;
	s21 =	sshrl.u32 s21, $0x3  }
.Ltmp1:
0x11c: {  	s21 =	sadd.s32 s7, s21;
	[tilespmem:s23+$0x4B0] =	vst v48;
	(pc) =	sbr.rel @p0 .LBB2_2-.Ltmp1, $4  }
0x11d: {  	[hbm4b:s21+s1] =	stream.linear.scatter [tilespmem:s17], [sflag:$0x2], $0xC80, $0x38;
	[tilespmem:$0x193A0] =	vst v63  }
0x11e: {  	_ =	swait.ge [sflag:s12], $0xC80  }
0x11f: {  	[sflag:s12] =	ssyncset.done $0x0  }
0x120: {  	v40 =	vmax.f32 v40, v48;
	[sflag:s12] =	ssyncadd.s32 $0xFFFFF380  }
0x121: {  	[tilespmem:$0x19320] =	vst v47  }
0x122: {  	[tilespmem:$0x19330] =	vst v46  }
0x123: {  	[tilespmem:$0x19340] =	vst v45  }
0x124: {  	[tilespmem:$0x19350] =	vst v44  }
0x125: {  	[tilespmem:$0x19360] =	vst v43  }
0x126: {  	[tilespmem:$0x19370] =	vst v42;
	s19 =	sadd.s32 $0x1, s19  }
0x127: {  	[tilespmem:$0x19380] =	vst v41;
	p0 =	sne.s32 s19, s11  }
.Ltmp2:
0x128: {  	[tilespmem:$0x19390] =	vst v40;
	(pc) =	sbr.rel @p0 .LBB2_1-.Ltmp2, $4  }
0x129: {  	[hbm4b:s10+s1] =	stream.linear.scatter [tilespmem:s18], [sflag:$0x2], $0x80, $0x38;
	[tilespmem:$0x193A0] =	vst v63  }
0x12a: {  	_ =	swait.ge [sflag:s12], $0x80  }
0x12b: {  	[sflag:s12] =	ssyncset.done $0x0  }
0x12c: {  	[sflag:s12] =	ssyncadd.s32 $0xFFFFFF80  }
0x12d: {  	_ =	sfence.sel $0x180000  }
0x12e: {  	[bflag:$0x0] =	sbarrier.arrive $0xFFFF  }
0x12f: {  	p0 =	sne.s32 s4, $0x0;
	_ =	strace $0x90000047  }
0x130: {  	s0 =	sadd.s32 @!p0 $0x100000, s0;
	[bflag:$0x2] =	sbarrier.arrive $0xFFFF  }
0x131: {  	[sflag:s0] =	ssyncadd.tile.s32 @!p0 $0x1;
	_ =	shalt  }
.Lfunc_end2:
_tile_overlayer_lowered:
.L_overlay_start_2:
0x132: {  	(tag) =	ssettag $0x2  }
0x133: {  	s0 =	rddreg [dreg:$0x0];
	s2 =	stileid.u32  }
0x134: {  	s1 =	rddreg [dreg:$0x1];
	p0 =	sne.s32 s2, $0x0  }
0x135: {  	s3 =	rddreg [dreg:$0x2];
	[bflag:$0x3] =	sbarrier.arrive $0xFFFF;
	s2 =	simm.s32 @!p0 $0x1C02  }
0x136: {  	[timem:s3], [sflag:s2] =	dma.local @!p0 [hbm:s0], s1  }
0x137: {  	s0 =	simm.s32 @!p0 $0x2  }
0x138: {  	_ =	swait.ge @!p0 [sflag:s0], s1  }
0x139: {  	s1 =	ssub.s32 @!p0 $0x0, s1;
	[sflag:s0] =	ssyncset.done @!p0 $0x0  }
0x13a: {  	[sflag:s0] =	ssyncadd.s32 @!p0 s1  }
0x13b: {  	[bflag:$0x3] =	sbarrier.arrive $0xFFFF  }
0x13c: {  	_ =	shalt  }

// kernel: kernel.7.cloned.1.call-start
scs
__scs_entry_jumppad:
0x0: {  	(pc) =	sbr.rel $0x88, $3  }
0x1: {  	(tag) =	ssettag $0x0;
	lr =	simm.s32 $0x1  }
0x2: {  	[smem:$0x3F97] =	sst lr;
	_ =	strace $0xD0000000  }
0x3: {  	_ = 	snop  }
0x4: {  	_ = 	snop  }
0x5: {  	_ = 	snop  }
0x6: {  	_ = 	snop  }
0x7: {  	_ = 	snop  }
__scs_overlays_trampoline_lowered:
0x8: {  	[smem:$0x3FA6] =	sst s0  }
0x9: {  	[smem:$0x3FA7] =	sst s1  }
0xa: {  	[smem:$0x3FA8] =	sst s2  }
0xb: {  	[smem:$0x3FA9] =	sst s3  }
0xc: {  	[smem:$0x3FAA] =	sst s4  }
0xd: {  	[smem:$0x3FAB] =	sst s5  }
0xe: {  	[smem:$0x3FAC] =	sst s6  }
0xf: {  	[smem:$0x3FAD] =	sst s7  }
0x10: {  	[smem:$0x3FAE] =	sst s8  }
0x11: {  	[smem:$0x3FAF] =	sst s9;
	s0 =	simm.s32 @!p0 $0x0  }
0x12: {  	s1 =	sld [smem:$0x3F95];
	s0 =	simm.s32 @p0 $0x1  }
0x13: {  	[smem:$0x3FB0] =	sst s0;
	s0 =	simm.s32 @!p1 $0x0  }
0x14: {  	s2 =	sld [smem:$0x3F94];
	s0 =	simm.s32 @p1 $0x1  }
0x15: {  	[smem:$0x3FB1] =	sst s0;
	s0 =	simm.s32 @!p2 $0x0  }
0x16: {  	s3 =	sld [smem:$0x3FDB];
	s0 =	simm.s32 @p2 $0x1  }
0x17: {  	s4 =	simm.s32 $0x1BF5;
	[smem:$0x3FB3] =	sst s0  }
0x18: {  	s0 =	sld [smem:$0x3F96];
	_ =	swait.ge [sflag:s4], $0x0  }
0x19: {  	s7 =	sld [smem:$0x3F97]  }
0x1a: {  	s8 =	sadd.s32 $0xFFFFE003, lr  }
0x1b: {  	s9 =	sadd.s32 $0xFFFFFEF7, lr;
	s5 =	simm.s32 $0xFFFFFFFF;
	p2 =	slt.u32 s8, $0xFFFFF086  }
0x1c: {  	p1 =	slt.u32 s9, $0xF7A;
	s5 =	simm.s32 @!p2 $0x0  }
0x1d: {  	s5 =	simm.s32 @p1 $0x1;
	p0 =	seq.s32 s7, s2  }
0x1e: {  	s7 =	smul.u32 @!p0 $0xF7A, s2;
	p2 =	seq.s32 @!p0 s5, $0x0  }
0x1f: {  	s9 =	smul.u32 $0xF7A, s1;
	s8 =	simm.s32 @!p0 $0x1BF5;
	p2 =	por !p2, p0  }
0x20: {  	[sflag:s8] =	ssyncset.s32 @!p0 $0xFFFFF086;
	s6 =	sadd.s32 @!p0 s3, s7;
	s7 =	simm.s32 @!p0 $0x108  }
0x21: {  	s3 =	sadd.s32 s3, s9;
	s6 =	sadd.s32 @!p0 $0x88, s6;
	s7 =	simm.s32 @p2 $0x1082  }
0x22: {  	[simem:s7], [sflag:s8] =	dma.local @!p0 [hbm:s6], $0xF7A  }
0x23: {  	s9 =	sor.u32 $0xD0000000, s2;
	s6 =	simm.s32 $0x108;
	_ =	swait.ge @!p0 [sflag:s8], $0x0  }
0x24: {  	s3 =	sadd.s32 $0x88, s3;
	s6 =	simm.s32 @!p1 $0x1082;
	[sflag:s4] =	ssyncset.s32 $0xFFFFF086  }
0x25: {  	[simem:s6], [sflag:s4] =	dma.local [hbm:s3], $0xF7A  }
0x26: {  	[smem:$0x3F97] =	sst s1;
	(tag) =	ssettag s2;
	_ =	strace s9  }
0x27: {  	s1 =	sld [smem:$0x3FA7]  }
0x28: {  	s2 =	sld [smem:$0x3FA8]  }
0x29: {  	s4 =	sld [smem:$0x3FAA]  }
0x2a: {  	p0 =	seq.s32 s5, $0x0;
	s5 =	sld [smem:$0x3FAB]  }
0x2b: {  	s6 =	sld [smem:$0x3FAC]  }
0x2c: {  	s7 =	sld [smem:$0x3FAD]  }
0x2d: {  	s3 =	simm.s32 $0x108;
	s8 =	sld [smem:$0x3FAE]  }
0x2e: {  	s3 =	simm.s32 @!p0 $0x1082;
	s9 =	sld [smem:$0x3FAF]  }
0x2f: {  	lr =	sadd.s32 s0, s3;
	s0 =	sld [smem:$0x3FA6]  }
0x30: {  	s3 =	sld [smem:$0x3FA9]  }
0x31: {  	[smem:$0x3FB2] =	sst s10  }
0x32: {  	s10 =	sld [smem:$0x3FB0];
	_ =	sdelay $0x3  }
0x33: {  	p0 =	seq.s32 s10, $0x1;
	s10 =	sld [smem:$0x3FB2];
	_ =	sdelay $0x3  }
0x34: {  	[smem:$0x3FB2] =	sst s10  }
0x35: {  	s10 =	sld [smem:$0x3FB1];
	_ =	sdelay $0x3  }
0x36: {  	p1 =	seq.s32 s10, $0x1;
	s10 =	sld [smem:$0x3FB2];
	_ =	sdelay $0x3  }
0x37: {  	[smem:$0x3FB2] =	sst s10  }
0x38: {  	s10 =	sld [smem:$0x3FB3]  }
0x39: {  	_ = 	snop;
	(pc) =	sbr.ind lr, $3  }
0x3a: {  	_ = 	snop  }
0x3b: {  	_ = 	snop  }
0x3c: {  	p2 =	seq.s32 s10, $0x1;
	s10 =	sld [smem:$0x3FB2]  }
0x3d: {  	_ =	shalt  }
0x3e: {  	_ =	shalt  }
0x3f: {  	_ =	shalt  }
0x40: {  	_ =	shalt  }
0x41: {  	_ =	shalt  }
0x42: {  	_ =	shalt  }
0x43: {  	_ =	shalt  }
0x44: {  	_ =	shalt  }
0x45: {  	_ =	shalt  }
0x46: {  	_ =	shalt  }
0x47: {  	_ =	shalt  }
0x48: {  	_ =	shalt  }
0x49: {  	_ =	shalt  }
0x4a: {  	_ =	shalt  }
0x4b: {  	_ =	shalt  }
0x4c: {  	_ =	shalt  }
0x4d: {  	_ =	shalt  }
0x4e: {  	_ =	shalt  }
0x4f: {  	_ =	shalt  }
0x50: {  	_ =	shalt  }
0x51: {  	_ =	shalt  }
0x52: {  	_ =	shalt  }
0x53: {  	_ =	shalt  }
0x54: {  	_ =	shalt  }
0x55: {  	_ =	shalt  }
0x56: {  	_ =	shalt  }
0x57: {  	_ =	shalt  }
0x58: {  	_ =	shalt  }
0x59: {  	_ =	shalt  }
0x5a: {  	_ =	shalt  }
0x5b: {  	_ =	shalt  }
0x5c: {  	_ =	shalt  }
0x5d: {  	_ =	shalt  }
0x5e: {  	_ =	shalt  }
0x5f: {  	_ =	shalt  }
0x60: {  	_ =	shalt  }
0x61: {  	_ =	shalt  }
0x62: {  	_ =	shalt  }
0x63: {  	_ =	shalt  }
0x64: {  	_ =	shalt  }
0x65: {  	_ =	shalt  }
0x66: {  	_ =	shalt  }
0x67: {  	_ =	shalt  }
0x68: {  	_ =	shalt  }
0x69: {  	_ =	shalt  }
0x6a: {  	_ =	shalt  }
0x6b: {  	_ =	shalt  }
0x6c: {  	_ =	shalt  }
0x6d: {  	_ =	shalt  }
0x6e: {  	_ =	shalt  }
0x6f: {  	_ =	shalt  }
0x70: {  	_ =	shalt  }
0x71: {  	_ =	shalt  }
0x72: {  	_ =	shalt  }
0x73: {  	_ =	shalt  }
0x74: {  	_ =	shalt  }
0x75: {  	_ =	shalt  }
0x76: {  	_ =	shalt  }
0x77: {  	_ =	shalt  }
0x78: {  	_ =	shalt  }
0x79: {  	_ =	shalt  }
0x7a: {  	_ =	shalt  }
0x7b: {  	_ =	shalt  }
0x7c: {  	_ =	shalt  }
0x7d: {  	_ =	shalt  }
0x7e: {  	_ =	shalt  }
0x7f: {  	_ =	shalt  }
0x80: {  	_ =	shalt  }
0x81: {  	_ =	shalt  }
0x82: {  	_ =	shalt  }
0x83: {  	_ =	shalt  }
0x84: {  	_ =	shalt  }
0x85: {  	_ =	shalt  }
0x86: {  	_ =	shalt  }
0x87: {  	_ =	shalt  }
.Lfunc_end0:
.L_simem_size_0:
called_computation.1_lowered:
.L_overlay_start_0:
0x88: {  	s2 =	sld [smem:$0x3FD9]  }
0x89: {  	s3 =	sld [smem:$0x3FFE];
	_ =	sdelay $0x1  }
0x8a: {  	s1 =	srdreg.scid  }
0x8b: {  	s0 =	sand.u32 $0x1, s1  }
0x8c: {  	s17 =	sshll.u32 s0, $0xA;
	s2 =	sadd.s32 s3, s2  }
0x8d: {  	s2 =	sadd.s32 s2, s17  }
0x8e: {  	[smem:$0x3FBE] =	sst s2  }
0x8f: {  	_ = 	snop  }
0x90: {  	s2 =	sld [smem:$0x3FD0];
	(tm) =	ssettm $0x1  }
0x91: {  	s18 =	sld [smem:$0x3FFB];
	_ =	sdelay $0x3  }
0x92: {  	_ =	strace s18  }
0x93: {  	s3 =	sld [smem:$0x3FFC];
	_ =	sdelay $0x3  }
0x94: {  	_ =	strace s3  }
0x95: {  	s3 =	sld [smem:$0x3FFD];
	_ =	sdelay $0x3  }
0x96: {  	_ =	strace s3  }
0x97: {  	_ =	strace $0x8FFFFFFF  }
0x98: {  	s19 =	sld [smem:$0x3FDB];
	_ =	sdelay $0x1  }
0x99: {  	s4 =	simm.s32 $_scs_section_size  }
0x9a: {  	s5 =	simm.s32 $_size__tile_overlayer_lowered;
	s6 =	simm.s32 $_tile_overlayer_lowered  }
0x9b: {  	s22 =	simm.s32 $0x1BFF;
	s21 =	sshll.u32 s6, $0x1;
	s3 =	sadd.s32 s4, s19  }
0x9c: {  	s7 =	simm.s32 $0x0;
	s20 =	sshll.u32 s5, $0x1;
	s5 =	sadd.s32 s21, s3  }
0x9d: {  	[timem:s7], [sflag:s22] =	dma.local [hbm:s5], s20  }
0x9e: {  	_ =	swait.ge [sflag:s22], s20  }
0x9f: {  	s4 =	ssub.s32 $0x0, s20;
	[sflag:s22] =	ssyncset.done $0x0  }
0xa0: {  	[sflag:s22] =	ssyncadd.s32 s4;
	_ =	sdelay $0x1  }
0xa1: {  	s23 =	simm.s32 $0x1B8B  }
0xa2: {  	_ =	swait.ge [sflag:s23], $0x1  }
0xa3: {  	[sflag:s23] =	ssyncset.done $0x0  }
0xa4: {  	s25 =	simm.s32 $0x1B8E;
	s24 =	sld [smem:$0x3FFE];
	[sflag:s23] =	ssyncadd.s32 $0xFFFFFFFF  }
0xa5: {  	s26 =	simm.s32 $execute0_lowered;
	[smem:$0x3FD2] =	sst s25  }
0xa6: {  	s5 =	sshll.u32 s26, $0x1;
	_ =	strace $0x80000049;
	[dreg:$0x1] =	wrdreg $0xFFFFFFFF  }
0xa7: {  	s28 =	simm.s32 $_size_execute0_lowered;
	s3 =	sadd.s32 s3, s5;
	[dreg:$0x0] =	wrdreg $0x0  }
0xa8: {  	s5 =	sshll.u32 s28, $0x1;
	[dreg:$0x2] =	wrdreg s3  }
0xa9: {  	[dreg:$0x3] =	wrdreg s5  }
0xaa: {  	[dreg:$0x4] =	wrdreg $0xC0  }
0xab: {  	_ =	task [dreg:s7], $0x5FFFF  }
0xac: {  	[dreg:$0x1] =	wrdreg $0xFFFFFFFF  }
0xad: {  	[dreg:$0x0] =	wrdreg $0x60  }
0xae: {  	[dreg:$0x2] =	wrdreg s24  }
0xaf: {  	[dreg:$0x3] =	wrdreg s2  }
0xb0: {  	[dreg:$0x4] =	wrdreg $0x74200  }
0xb1: {  	[dreg:$0x5] =	wrdreg $0x9  }
0xb2: {  	_ =	task.clear_ibuf [dreg:s7], $0x6FFFF;
	_ =	strace $0x90000049  }
0xb3: {  	s29 =	simm.s32 $0x9;
	_ =	strace $0x8000004B  }
0xb4: {  	_ =	swait.ge [sflag:s29], $0x1  }
0xb5: {  	[sflag:s29] =	ssyncadd.s32 $0xFFFFFFFF  }
0xb6: {  	_ =	strace $0x9000004B  }
0xb7: {  	_ =	sfence  }
0xb8: {  	s30 =	sld [smem:$0x0];
	_ =	sdelay $0x2  }
0xb9: {  	s31 =	sshll.u32 s1, $0xD;
	s1 =	sshrl.u32 s1, $0x2  }
0xba: {  	s3 =	sand.u32 $0x4000, s31;
	s1 =	sadd.s32 s1, s30  }
0xbb: {  	s0 =	sor.u32 s3, s0;
	s1 =	sshll.u32 s1, $0x11  }
0xbc: {  	s0 =	sor.u32 s1, s0  }
0xbd: {  	s0 =	sadd.s32 $0x8F2B, s0  }
0xbe: {  	[sflag:s0] =	ssyncadd.remote.s32 $0x1  }
0xbf: {  	_ =	sfence.sel $0xFFFF  }
0xc0: {  	[dreg:$0x0] =	wrdreg $0xFFFFFFFF;
	(pc) =	sbr.abs _section_cstart, $3  }
0xc1: {  	[dreg:$0x1] =	wrdreg $0xFFFFFFFF  }
0xc2: {  	_ =	task.clear_ibuf [dreg:s7], $0x2FFFF;
	_ =	strace $0x9FFFFFFF  }
0xc3: {  	(tm) =	ssettm $0x7FFFFFFF  }
tec
execute0_lowered:
.L_overlay_start_1:
0x0: {  	(tag) =	ssettag $0x1  }
0x1: {  	s9 =	rddreg [dreg:$0x0]  }
0x2: {  	s2 =	rddreg [dreg:$0x1]  }
0x3: {  	s3 =	rddreg [dreg:$0x2]  }
0x4: {  	s0 =	rddreg [dreg:$0x3]  }
0x5: {  	s4 =	simm.s32 $0x0;
	s1 =	stileid.u32;
	s5 =	srdreg.scid  }
0x6: {  	s18 =	simm.s32 $0x190;
	s19 =	simm.s32 $0x320;
	s20 =	simm.s32 $0x5AA0  }
0x7: {  	s21 =	simm.s32 $0x1;
	s22 =	simm.s32 $0xFA0;
	s23 =	simm.s32 $0x0  }
0x8: {  	[smem:$0x7FF] =	sst s4;
	s10 =	smul.u32 $0x7530, s1;
	s11 =	sand.u32 $0x1, s5  }
0x9: {  	s5 =	sadd.s32 $0x39800, s9;
	s6 =	sadd.s32 $0xD5C00, s9;
	s7 =	sadd.s32 $0x23600, s9  }
0xa: {  	s8 =	sadd.s32 $0xFC00, s9;
	s15 =	sshll.u32 s1, $0x1;
	s16 =	sshll.u32 s1, $0x6  }
0xb: {  	_ =	strace $0x8000004A;
	s12 =	smul.u32 $0x75300, s11;
	s14 =	ssub.s32 $0x2, s11  }
0xc: {  	s11 =	sor.u32 s11, s15;
	s15 =	simm.s32 $0x2;
	s16 =	sor.u32 $0x1C02, s16  }
0xd: {  	s13 =	sshrl.u32 s10, $0x3;
	s31 =	sshrl.u32 s14, $0x1;
	s17 =	sadd.s32 s10, s3  }
0xe: {  	s13 =	sadd.s32 s13, s9;
	s12 =	sadd.s32 s10, s12;
	s14 =	ssub.s32 s14, s31  }
0xf: {  	s17 =	sshrl.u32 s17, $0x3;
	s12 =	sshrl.u32 s12, $0x3;
	s10 =	sadd.s32 $0x1000, s13  }
0x10: {  	s13 =	smax.u32 s14, $0x1;
	s12 =	sadd.s32 s12, s9;
	s9 =	smul.u32 $0x4E20, s11  }
0x11: {  	v0 =	vlaneseq.u32;
	s14 =	simm.s32 $0x73A0;
	s11 =	smul.u32 $0x27100, s11;
	s12 =	sadd.s32 $0xDAC00, s12  }
.LBB2_1:
0x12: {  	[tilespmem:s14], [sflag:$0x2] =	stream.linear.gather [hbm4b:s2+s4], $0x80, $0x38;
	[tilespmem:$0xE950] =	vst v63  }
0x13: {  	_ =	swait.ge [sflag:s15], $0x80  }
0x14: {  	[sflag:s15] =	ssyncset.done $0x0  }
0x15: {  	[sflag:s15] =	ssyncadd.s32 $0xFFFFFF80  }
0x16: {  	[spmem:s17], [sflag:s16] =	dma.local [hbm:s10], $0xEA6  }
0x17: {  	_ =	swait.ge [sflag:s15], $0xEA6  }
0x18: {  	[sflag:s15] =	ssyncset.done $0x0  }
0x19: {  	[sflag:s15] =	ssyncadd.s32 $0xFFFFF15A  }
0x1a: {  	s24 =	simm.s32 $0x0;
	[bflag:$0x0] =	sbarrier.arrive $0xFFFF  }
.LBB2_2:
0x1b: {  	s25 =	smul.u32 $0x190, s24;
	_ =	sdelay $0x1  }
0x1c: {  	s25 =	sadd.s32 s9, s25  }
0x1d: {  	s25 =	sshrl.u32 s25, $0x3  }
0x1e: {  	s28 =	simm.s32 $0x0;
	s26 =	sadd.s32 s7, s25  }
0x1f: {  	[tilespmem:s28], [sflag:$0x2] =	stream.linear.gather [hbm4b:s26+s28], $0x190, $0x38;
	[tilespmem:$0xE950] =	vst v63  }
0x20: {  	_ =	swait.ge [sflag:s15], $0x190  }
0x21: {  	[sflag:s15] =	ssyncset.done $0x0  }
0x22: {  	s30 =	smul.u32 $0xC80, s24;
	s25 =	sadd.s32 s8, s25;
	[sflag:s15] =	ssyncadd.s32 $0xFFFFFE70  }
0x23: {  	[tilespmem:s18], [sflag:$0x2] =	stream.linear.gather [hbm4b:s25+s28], $0x190, $0x38;
	[tilespmem:$0xE950] =	vst v63  }
0x24: {  	s31 =	sadd.s32 s11, s30;
	_ =	swait.ge [sflag:s15], $0x190  }
0x25: {  	s25 =	sshrl.u32 s31, $0x3;
	[sflag:s15] =	ssyncset.done $0x0  }
0x26: {  	s25 =	sadd.s32 s5, s25;
	[sflag:s15] =	ssyncadd.s32 $0xFFFFFE70  }
0x27: {  	[tilespmem:s19], [sflag:$0x2] =	stream.linear.gather [hbm4b:s25+s28], $0xC80, $0x38;
	[tilespmem:$0xE950] =	vst v63  }
0x28: {  	_ =	swait.ge [sflag:s15], $0xC80  }
0x29: {  	[sflag:s15] =	ssyncset.done $0x0  }
0x2a: {  	[sflag:s15] =	ssyncadd.s32 $0xFFFFF380  }
0x2b: {  	[tilespmem:s20], [sflag:$0x1] =	stream.indirect.gather [hbm4b:s6+s18], $0x10, s28, s18, $0xb8;
	[tilespmem:$0xE950] =	vst v63  }
0x2c: {  	_ =	swait.ge [sflag:s21], $0x1900  }
0x2d: {  	[sflag:s21] =	ssyncset.done $0x0  }
0x2e: {  	[sflag:s21] =	ssyncadd.s32 $0xFFFFE700  }
0x2f: {  	s25 =	simm.s32 $0x960;
	v1 =	vld [tilespmem:$0x73A0]  }
0x30: {  	v2 =	vld [tilespmem:s25+$0xFFFFF9C0];
	_ =	sdelay $0x4  }
0x31: {  	v1 =	vsub.f32 v2, v1;
	_ =	sdelay $0x1  }
0x32: {  	v1 =	vmul.f32 $1.442695020e+00, v1  }
0x33: {  	v2 =	vor.u32 s28, v0  }
0x34: {  	v3 =	vshll.u32 v2, $0x4;
	(erf) = vpow2.f32 v1  }
0x35: {  	v1 =	vor.u32 $0x1, v3  }
0x36: {  	v5 =	vor.u32 $0x2, v3  }
0x37: {  	v7 =	vor.u32 $0x3, v3  }
0x38: {  	v8 =	vor.u32 $0x4, v3  }
0x39: {  	v4 =	vld.idx.msk [tilespmem:v3+s20+$0x0], $0xffff  }
0x3a: {  	v6 =	vmul.u32 $0x30, v2;
	v3 =	vld.idx.msk [tilespmem:v1+s20+$0x0], $0xffff  }
0x3b: {  	v2 =	vld.idx.msk [tilespmem:v5+s20+$0x0], $0xffff  }
0x3c: {  	v1 =	vld.idx.msk [tilespmem:v7+s20+$0x0], $0xffff;
	v7 =	vor.u32 $0x1, v6  }
0x3d: {  	v5 =	vld.idx.msk [tilespmem:v8+s20+$0x0], $0xffff;
	v8 =	vor.u32 $0x2, v6;
	v9 =	vpop (erf)  }
0x3e: {  	v11 =	vor.u32 $0x3, v6;
	v10 =	vmul.f32 v9, v4  }
0x3f: {  	v13 =	vor.u32 $0x4, v6;
	v12 =	vmul.f32 v9, v3  }
0x40: {  	[tilespmem:v6+s22+$0x0] =	vst.idx.msk $0xffff, v10;
	v10 =	vmul.f32 v9, v2  }
0x41: {  	[tilespmem:v7+s22+$0x0] =	vst.idx.msk $0xffff, v12;
	v7 =	vmul.f32 v9, v1  }
0x42: {  	[tilespmem:v8+s22+$0x0] =	vst.idx.msk $0xffff, v10;
	v8 =	vmul.f32 v9, v5  }
0x43: {  	[tilespmem:v11+s22+$0x0] =	vst.idx.msk $0xffff, v7  }
0x44: {  	[tilespmem:v13+s22+$0x0] =	vst.idx.msk $0xffff, v8  }
0x45: {  	v7 =	vld [tilespmem:s25+$0xFFFFFB50]  }
0x46: {  	v8 =	vld [tilespmem:$0x73B0];
	_ =	sdelay $0x4  }
0x47: {  	v7 =	vsub.f32 v7, v8;
	_ =	sdelay $0x1  }
0x48: {  	v7 =	vmul.f32 $1.442695020e+00, v7;
	_ =	sdelay $0x1  }
0x49: {  	(erf) = vpow2.f32 v7;
	_ =	sdelay $0x6  }
0x4a: {  	v7 =	vor.u32 $0x6, v6  }
0x4b: {  	v8 =	vor.u32 $0x7, v6  }
0x4c: {  	v9 =	vor.u32 $0x8, v6;
	v10 =	vpop (erf)  }
0x4d: {  	v11 =	vor.u32 $0x9, v6;
	v45 =	vmul.f32 v10, v4  }
0x4e: {  	v14 =	vor.u32 $0xA, v6;
	v46 =	vmul.f32 v10, v3  }
0x4f: {  	v15 =	vmul.f32 v10, v2;
	[tilespmem:v7+s22+$0x0] =	vst.idx.msk $0xffff, v45  }
0x50: {  	v7 =	vmul.f32 v10, v1;
	[tilespmem:v8+s22+$0x0] =	vst.idx.msk $0xffff, v46  }
0x51: {  	v8 =	vmul.f32 v10, v5;
	[tilespmem:v9+s22+$0x0] =	vst.idx.msk $0xffff, v15  }
0x52: {  	[tilespmem:v11+s22+$0x0] =	vst.idx.msk $0xffff, v7  }
0x53: {  	[tilespmem:v14+s22+$0x0] =	vst.idx.msk $0xffff, v8  }
0x54: {  	v7 =	vld [tilespmem:s25+$0xFFFFFCE0]  }
0x55: {  	v8 =	vld [tilespmem:$0x73C0];
	_ =	sdelay $0x4  }
0x56: {  	v7 =	vsub.f32 v7, v8;
	_ =	sdelay $0x1  }
0x57: {  	v7 =	vmul.f32 $1.442695020e+00, v7;
	_ =	sdelay $0x1  }
0x58: {  	(erf) = vpow2.f32 v7;
	_ =	sdelay $0x6  }
0x59: {  	v7 =	vor.u32 $0xC, v6  }
0x5a: {  	v8 =	vor.u32 $0xD, v6  }
0x5b: {  	v9 =	vor.u32 $0xE, v6;
	v10 =	vpop (erf)  }
0x5c: {  	v11 =	vor.u32 $0xF, v6;
	v47 =	vmul.f32 v10, v4  }
0x5d: {  	v48 =	vadd.s32 $0x10, v6;
	v49 =	vmul.f32 v10, v3  }
0x5e: {  	v50 =	vmul.f32 v10, v2;
	[tilespmem:v7+s22+$0x0] =	vst.idx.msk $0xffff, v47  }
0x5f: {  	v7 =	vmul.f32 v10, v1;
	[tilespmem:v8+s22+$0x0] =	vst.idx.msk $0xffff, v49  }
0x60: {  	v8 =	vmul.f32 v10, v5;
	[tilespmem:v9+s22+$0x0] =	vst.idx.msk $0xffff, v50  }
0x61: {  	[tilespmem:v11+s22+$0x0] =	vst.idx.msk $0xffff, v7  }
0x62: {  	[tilespmem:v48+s22+$0x0] =	vst.idx.msk $0xffff, v8  }
0x63: {  	v7 =	vld [tilespmem:s25+$0xFFFFFE70]  }
0x64: {  	v8 =	vld [tilespmem:$0x73D0];
	_ =	sdelay $0x4  }
0x65: {  	v7 =	vsub.f32 v7, v8;
	_ =	sdelay $0x1  }
0x66: {  	v7 =	vmul.f32 $1.442695020e+00, v7;
	_ =	sdelay $0x1  }
0x67: {  	(erf) = vpow2.f32 v7;
	_ =	sdelay $0x6  }
0x68: {  	v7 =	vadd.s32 $0x12, v6  }
0x69: {  	v8 =	vadd.s32 $0x13, v6  }
0x6a: {  	v9 =	vadd.s32 $0x14, v6;
	v10 =	vpop (erf)  }
0x6b: {  	v11 =	vadd.s32 $0x15, v6;
	v51 =	vmul.f32 v10, v4  }
0x6c: {  	v52 =	vadd.s32 $0x16, v6;
	v53 =	vmul.f32 v10, v3  }
0x6d: {  	[tilespmem:v7+s22+$0x0] =	vst.idx.msk $0xffff, v51;
	v7 =	vmul.f32 v10, v2  }
0x6e: {  	v54 =	vmul.f32 v10, v1;
	[tilespmem:v8+s22+$0x0] =	vst.idx.msk $0xffff, v53  }
0x6f: {  	v8 =	vmul.f32 v10, v5;
	[tilespmem:v9+s22+$0x0] =	vst.idx.msk $0xffff, v7  }
0x70: {  	[tilespmem:v11+s22+$0x0] =	vst.idx.msk $0xffff, v54  }
0x71: {  	[tilespmem:v52+s22+$0x0] =	vst.idx.msk $0xffff, v8  }
0x72: {  	v7 =	vld [tilespmem:s25+$0x0]  }
0x73: {  	v8 =	vld [tilespmem:$0x73E0];
	_ =	sdelay $0x4  }
0x74: {  	v7 =	vsub.f32 v7, v8;
	_ =	sdelay $0x1  }
0x75: {  	v7 =	vmul.f32 $1.442695020e+00, v7;
	_ =	sdelay $0x1  }
0x76: {  	(erf) = vpow2.f32 v7;
	_ =	sdelay $0x6  }
0x77: {  	v7 =	vadd.s32 $0x18, v6  }
0x78: {  	v8 =	vadd.s32 $0x19, v6  }
0x79: {  	v9 =	vadd.s32 $0x1A, v6;
	v10 =	vpop (erf)  }
0x7a: {  	v11 =	vadd.s32 $0x1B, v6;
	v55 =	vmul.f32 v10, v4  }
0x7b: {  	v56 =	vadd.s32 $0x1C, v6;
	v57 =	vmul.f32 v10, v3  }
0x7c: {  	[tilespmem:v7+s22+$0x0] =	vst.idx.msk $0xffff, v55;
	v7 =	vmul.f32 v10, v2  }
0x7d: {  	[tilespmem:v8+s22+$0x0] =	vst.idx.msk $0xffff, v57;
	v8 =	vmul.f32 v10, v1  }
0x7e: {  	v10 =	vmul.f32 v10, v5;
	[tilespmem:v9+s22+$0x0] =	vst.idx.msk $0xffff, v7  }
0x7f: {  	[tilespmem:v11+s22+$0x0] =	vst.idx.msk $0xffff, v8  }
0x80: {  	[tilespmem:v56+s22+$0x0] =	vst.idx.msk $0xffff, v10  }
0x81: {  	v7 =	vld [tilespmem:s25+$0x190]  }
0x82: {  	v8 =	vld [tilespmem:$0x73F0];
	_ =	sdelay $0x4  }
0x83: {  	v7 =	vsub.f32 v7, v8;
	_ =	sdelay $0x1  }
0x84: {  	v7 =	vmul.f32 $1.442695020e+00, v7;
	_ =	sdelay $0x1  }
0x85: {  	(erf) = vpow2.f32 v7;
	_ =	sdelay $0x6  }
0x86: {  	v7 =	vadd.s32 $0x1E, v6  }
0x87: {  	v8 =	vadd.s32 $0x1F, v6  }
0x88: {  	v9 =	vadd.s32 $0x20, v6;
	v10 =	vpop (erf)  }
0x89: {  	v11 =	vadd.s32 $0x21, v6;
	v58 =	vmul.f32 v10, v4  }
0x8a: {  	v59 =	vadd.s32 $0x22, v6;
	v60 =	vmul.f32 v10, v3  }
0x8b: {  	[tilespmem:v7+s22+$0x0] =	vst.idx.msk $0xffff, v58;
	v7 =	vmul.f32 v10, v2  }
0x8c: {  	[tilespmem:v8+s22+$0x0] =	vst.idx.msk $0xffff, v60;
	v8 =	vmul.f32 v10, v1  }
0x8d: {  	v10 =	vmul.f32 v10, v5;
	[tilespmem:v9+s22+$0x0] =	vst.idx.msk $0xffff, v7  }
0x8e: {  	[tilespmem:v11+s22+$0x0] =	vst.idx.msk $0xffff, v8  }
0x8f: {  	[tilespmem:v59+s22+$0x0] =	vst.idx.msk $0xffff, v10  }
0x90: {  	v7 =	vld [tilespmem:s25+$0x320]  }
0x91: {  	v8 =	vld [tilespmem:$0x7400];
	_ =	sdelay $0x4  }
0x92: {  	v7 =	vsub.f32 v7, v8;
	_ =	sdelay $0x1  }
0x93: {  	v7 =	vmul.f32 $1.442695020e+00, v7;
	_ =	sdelay $0x1  }
0x94: {  	(erf) = vpow2.f32 v7;
	_ =	sdelay $0x6  }
0x95: {  	v7 =	vadd.s32 $0x24, v6  }
0x96: {  	v8 =	vadd.s32 $0x25, v6  }
0x97: {  	v9 =	vadd.s32 $0x26, v6;
	v10 =	vpop (erf)  }
0x98: {  	v11 =	vadd.s32 $0x27, v6;
	v61 =	vmul.f32 v10, v4  }
0x99: {  	v62 =	vadd.s32 $0x28, v6;
	v63 =	vmul.f32 v10, v3  }
0x9a: {  	[tilespmem:v7+s22+$0x0] =	vst.idx.msk $0xffff, v61;
	v7 =	vmul.f32 v10, v2  }
0x9b: {  	[tilespmem:v8+s22+$0x0] =	vst.idx.msk $0xffff, v63;
	v8 =	vmul.f32 v10, v1  }
0x9c: {  	v10 =	vmul.f32 v10, v5;
	[tilespmem:v9+s22+$0x0] =	vst.idx.msk $0xffff, v7  }
0x9d: {  	[tilespmem:v11+s22+$0x0] =	vst.idx.msk $0xffff, v8  }
0x9e: {  	[tilespmem:v62+s22+$0x0] =	vst.idx.msk $0xffff, v10  }
0x9f: {  	v7 =	vld [tilespmem:s25+$0x4B0]  }
0xa0: {  	v8 =	vld [tilespmem:$0x7410];
	_ =	sdelay $0x4  }
0xa1: {  	v7 =	vsub.f32 v7, v8;
	_ =	sdelay $0x1  }
0xa2: {  	v7 =	vmul.f32 $1.442695020e+00, v7;
	_ =	sdelay $0x1  }
0xa3: {  	(erf) = vpow2.f32 v7;
	_ =	sdelay $0x2  }
0xa4: {  	v9 =	vadd.s32 $0x2A, v6;
	v10 =	vadd.s32 $0x2B, v6  }
0xa5: {  	s26 =	simm.s32 $0x10;
	v8 =	vadd.s32 $0x2D, v6;
	v7 =	vadd.s32 $0x2C, v6;
	v6 =	vadd.s32 $0x2E, v6  }
.LBB2_3:
0xa6: {  	_ =	sdelay $0x2  }
0xa7: {  	p0 =	sne.s32 s26, $0x180  }
0xa8: {  	s25 =	sadd.s32 $0x10, s25;
	s28 =	smov.u32 s26;
	s26 =	sadd.s32 $0x10, s26;
	v11 =	vpop (erf)  }
0xa9: {  	v4 =	vmul.f32 v11, v4;
	v5 =	vmul.f32 v11, v5  }
0xaa: {  	v3 =	vmul.f32 v11, v3  }
0xab: {  	v2 =	vmul.f32 v11, v2;
	[tilespmem:v9+s22+$0x0] =	vst.idx.msk $0xffff, v4  }
0xac: {  	v1 =	vmul.f32 v11, v1;
	[tilespmem:v10+s22+$0x0] =	vst.idx.msk $0xffff, v3  }
0xad: {  	[tilespmem:v7+s22+$0x0] =	vst.idx.msk $0xffff, v2  }
0xae: {  	[tilespmem:v8+s22+$0x0] =	vst.idx.msk $0xffff, v1  }
0xaf: {  	[tilespmem:v6+s22+$0x0] =	vst.idx.msk $0xffff, v5  }
0xb0: {  	v1 =	vld [tilespmem:$0x73A0]  }
0xb1: {  	v2 =	vld [tilespmem:s25+$0xFFFFF9C0];
	_ =	sdelay $0x4  }
0xb2: {  	v1 =	vsub.f32 v2, v1;
	_ =	sdelay $0x1  }
0xb3: {  	v5 =	vor.u32 s28, v0;
	v1 =	vmul.f32 $1.442695020e+00, v1  }
0xb4: {  	v2 =	vshll.u32 v5, $0x4  }
0xb5: {  	v3 =	vor.u32 $0x1, v2;
	v7 =	vor.u32 $0x3, v2;
	(erf) = vpow2.f32 v1  }
0xb6: {  	v1 =	vor.u32 $0x2, v2;
	_ =	sdelay $0x1  }
0xb7: {  	v8 =	vor.u32 $0x4, v2  }
0xb8: {  	v4 =	vld.idx.msk [tilespmem:v2+s20+$0x0], $0xffff  }
0xb9: {  	v3 =	vld.idx.msk [tilespmem:v3+s20+$0x0], $0xffff  }
0xba: {  	v6 =	vmul.u32 $0x30, v5;
	v2 =	vld.idx.msk [tilespmem:v1+s20+$0x0], $0xffff  }
0xbb: {  	v1 =	vld.idx.msk [tilespmem:v7+s20+$0x0], $0xffff  }
0xbc: {  	v7 =	vor.u32 $0x1, v6;
	v5 =	vld.idx.msk [tilespmem:v8+s20+$0x0], $0xffff  }
0xbd: {  	v8 =	vor.u32 $0x2, v6;
	v9 =	vpop (erf)  }
0xbe: {  	v11 =	vor.u32 $0x3, v6;
	v10 =	vmul.f32 v9, v4  }
0xbf: {  	v13 =	vor.u32 $0x4, v6;
	v12 =	vmul.f32 v9, v3  }
0xc0: {  	[tilespmem:v6+s22+$0x0] =	vst.idx.msk $0xffff, v10;
	v10 =	vmul.f32 v9, v2  }
0xc1: {  	[tilespmem:v7+s22+$0x0] =	vst.idx.msk $0xffff, v12;
	v7 =	vmul.f32 v9, v1  }
0xc2: {  	[tilespmem:v8+s22+$0x0] =	vst.idx.msk $0xffff, v10;
	v8 =	vmul.f32 v9, v5  }
0xc3: {  	[tilespmem:v11+s22+$0x0] =	vst.idx.msk $0xffff, v7  }
0xc4: {  	[tilespmem:v13+s22+$0x0] =	vst.idx.msk $0xffff, v8  }
0xc5: {  	v7 =	vld [tilespmem:s25+$0xFFFFFB50]  }
0xc6: {  	v8 =	vld [tilespmem:$0x73B0];
	_ =	sdelay $0x4  }
0xc7: {  	v7 =	vsub.f32 v7, v8;
	_ =	sdelay $0x1  }
0xc8: {  	v7 =	vmul.f32 $1.442695020e+00, v7;
	_ =	sdelay $0x1  }
0xc9: {  	(erf) = vpow2.f32 v7;
	_ =	sdelay $0x5  }
0xca: {  	v7 =	vor.u32 $0x6, v6  }
0xcb: {  	v8 =	vor.u32 $0x7, v6  }
0xcc: {  	v9 =	vor.u32 $0x8, v6  }
0xcd: {  	v10 =	vor.u32 $0x9, v6;
	v11 =	vpop (erf)  }
0xce: {  	v14 =	vor.u32 $0xA, v6;
	v12 =	vmul.f32 v11, v4;
	v13 =	vmul.f32 v11, v3  }
0xcf: {  	v15 =	vmul.f32 v11, v2  }
0xd0: {  	[tilespmem:v7+s22+$0x0] =	vst.idx.msk $0xffff, v12;
	v7 =	vmul.f32 v11, v1  }
0xd1: {  	[tilespmem:v8+s22+$0x0] =	vst.idx.msk $0xffff, v13;
	v8 =	vmul.f32 v11, v5  }
0xd2: {  	[tilespmem:v9+s22+$0x0] =	vst.idx.msk $0xffff, v15  }
0xd3: {  	[tilespmem:v10+s22+$0x0] =	vst.idx.msk $0xffff, v7  }
0xd4: {  	[tilespmem:v14+s22+$0x0] =	vst.idx.msk $0xffff, v8  }
0xd5: {  	v7 =	vld [tilespmem:s25+$0xFFFFFCE0]  }
0xd6: {  	v8 =	vld [tilespmem:$0x73C0];
	_ =	sdelay $0x4  }
0xd7: {  	v7 =	vsub.f32 v7, v8;
	_ =	sdelay $0x1  }
0xd8: {  	v7 =	vmul.f32 $1.442695020e+00, v7;
	_ =	sdelay $0x1  }
0xd9: {  	(erf) = vpow2.f32 v7;
	_ =	sdelay $0x4  }
0xda: {  	v7 =	vor.u32 $0xC, v6  }
0xdb: {  	v8 =	vor.u32 $0xD, v6  }
0xdc: {  	v9 =	vor.u32 $0xE, v6  }
0xdd: {  	v10 =	vor.u32 $0xF, v6  }
0xde: {  	v11 =	vadd.s32 $0x10, v6;
	v12 =	vpop (erf)  }
0xdf: {  	v13 =	vmul.f32 v12, v4;
	v14 =	vmul.f32 v12, v2  }
0xe0: {  	v15 =	vmul.f32 v12, v3;
	v16 =	vmul.f32 v12, v1  }
0xe1: {  	[tilespmem:v7+s22+$0x0] =	vst.idx.msk $0xffff, v13;
	v7 =	vmul.f32 v12, v5  }
0xe2: {  	[tilespmem:v8+s22+$0x0] =	vst.idx.msk $0xffff, v15  }
0xe3: {  	[tilespmem:v9+s22+$0x0] =	vst.idx.msk $0xffff, v14  }
0xe4: {  	[tilespmem:v10+s22+$0x0] =	vst.idx.msk $0xffff, v16  }
0xe5: {  	[tilespmem:v11+s22+$0x0] =	vst.idx.msk $0xffff, v7  }
0xe6: {  	v7 =	vld [tilespmem:s25+$0xFFFFFE70]  }
0xe7: {  	v8 =	vld [tilespmem:$0x73D0];
	_ =	sdelay $0x4  }
0xe8: {  	v7 =	vsub.f32 v7, v8;
	_ =	sdelay $0x1  }
0xe9: {  	v7 =	vmul.f32 $1.442695020e+00, v7;
	_ =	sdelay $0x1  }
0xea: {  	(erf) = vpow2.f32 v7;
	_ =	sdelay $0x3  }
0xeb: {  	v7 =	vadd.s32 $0x12, v6  }
0xec: {  	v8 =	vadd.s32 $0x13, v6  }
0xed: {  	v9 =	vadd.s32 $0x14, v6  }
0xee: {  	v10 =	vadd.s32 $0x15, v6  }
0xef: {  	v11 =	vadd.s32 $0x16, v6  }
0xf0: {  	v12 =	vpop (erf)  }
0xf1: {  	v13 =	vmul.f32 v12, v4;
	v14 =	vmul.f32 v12, v1  }
0xf2: {  	v15 =	vmul.f32 v12, v3;
	v16 =	vmul.f32 v12, v5  }
0xf3: {  	[tilespmem:v7+s22+$0x0] =	vst.idx.msk $0xffff, v13;
	v7 =	vmul.f32 v12, v2  }
0xf4: {  	[tilespmem:v8+s22+$0x0] =	vst.idx.msk $0xffff, v15  }
0xf5: {  	[tilespmem:v9+s22+$0x0] =	vst.idx.msk $0xffff, v7  }
0xf6: {  	[tilespmem:v10+s22+$0x0] =	vst.idx.msk $0xffff, v14  }
0xf7: {  	[tilespmem:v11+s22+$0x0] =	vst.idx.msk $0xffff, v16  }
0xf8: {  	v7 =	vld [tilespmem:s25+$0x0]  }
0xf9: {  	v8 =	vld [tilespmem:$0x73E0];
	_ =	sdelay $0x4  }
0xfa: {  	v7 =	vsub.f32 v7, v8;
	_ =	sdelay $0x1  }
0xfb: {  	v7 =	vmul.f32 $1.442695020e+00, v7;
	_ =	sdelay $0x1  }
0xfc: {  	(erf) = vpow2.f32 v7;
	_ =	sdelay $0x2  }
0xfd: {  	v7 =	vadd.s32 $0x18, v6  }
0xfe: {  	v8 =	vadd.s32 $0x19, v6  }
0xff: {  	v9 =	vadd.s32 $0x1A, v6  }
0x100: {  	v10 =	vadd.s32 $0x1B, v6  }
0x101: {  	v11 =	vadd.s32 $0x1C, v6;
	_ =	sdelay $0x1  }
0x102: {  	v12 =	vpop (erf)  }
0x103: {  	v13 =	vmul.f32 v12, v4;
	v14 =	vmul.f32 v12, v5  }
0x104: {  	v15 =	vmul.f32 v12, v3  }
0x105: {  	[tilespmem:v7+s22+$0x0] =	vst.idx.msk $0xffff, v13;
	v7 =	vmul.f32 v12, v2  }
0x106: {  	[tilespmem:v8+s22+$0x0] =	vst.idx.msk $0xffff, v15;
	v8 =	vmul.f32 v12, v1  }
0x107: {  	[tilespmem:v9+s22+$0x0] =	vst.idx.msk $0xffff, v7  }
0x108: {  	[tilespmem:v10+s22+$0x0] =	vst.idx.msk $0xffff, v8  }
0x109: {  	[tilespmem:v11+s22+$0x0] =	vst.idx.msk $0xffff, v14  }
0x10a: {  	v7 =	vld [tilespmem:s25+$0x190]  }
0x10b: {  	v8 =	vld [tilespmem:$0x73F0];
	_ =	sdelay $0x4  }
0x10c: {  	v7 =	vsub.f32 v7, v8;
	_ =	sdelay $0x1  }
0x10d: {  	v7 =	vmul.f32 $1.442695020e+00, v7;
	_ =	sdelay $0x1  }
0x10e: {  	(erf) = vpow2.f32 v7;
	_ =	sdelay $0x1  }
0x10f: {  	v7 =	vadd.s32 $0x1E, v6  }
0x110: {  	v8 =	vadd.s32 $0x1F, v6  }
0x111: {  	v9 =	vadd.s32 $0x20, v6  }
0x112: {  	v10 =	vadd.s32 $0x21, v6  }
0x113: {  	v11 =	vadd.s32 $0x22, v6;
	_ =	sdelay $0x2  }
0x114: {  	v12 =	vpop (erf)  }
0x115: {  	v13 =	vmul.f32 v12, v4;
	v14 =	vmul.f32 v12, v5  }
0x116: {  	v15 =	vmul.f32 v12, v3  }
0x117: {  	[tilespmem:v7+s22+$0x0] =	vst.idx.msk $0xffff, v13;
	v7 =	vmul.f32 v12, v2  }
0x118: {  	[tilespmem:v8+s22+$0x0] =	vst.idx.msk $0xffff, v15;
	v8 =	vmul.f32 v12, v1  }
0x119: {  	[tilespmem:v9+s22+$0x0] =	vst.idx.msk $0xffff, v7  }
0x11a: {  	[tilespmem:v10+s22+$0x0] =	vst.idx.msk $0xffff, v8  }
0x11b: {  	[tilespmem:v11+s22+$0x0] =	vst.idx.msk $0xffff, v14  }
0x11c: {  	v7 =	vld [tilespmem:s25+$0x320]  }
0x11d: {  	v8 =	vld [tilespmem:$0x7400];
	_ =	sdelay $0x4  }
0x11e: {  	v7 =	vsub.f32 v7, v8;
	_ =	sdelay $0x1  }
0x11f: {  	v7 =	vmul.f32 $1.442695020e+00, v7;
	_ =	sdelay $0x1  }
0x120: {  	(erf) = vpow2.f32 v7  }
0x121: {  	v7 =	vadd.s32 $0x24, v6  }
0x122: {  	v8 =	vadd.s32 $0x25, v6  }
0x123: {  	v9 =	vadd.s32 $0x26, v6  }
0x124: {  	v10 =	vadd.s32 $0x27, v6  }
0x125: {  	v11 =	vadd.s32 $0x28, v6;
	_ =	sdelay $0x3  }
0x126: {  	v12 =	vpop (erf)  }
0x127: {  	v13 =	vmul.f32 v12, v4;
	v14 =	vmul.f32 v12, v5  }
0x128: {  	v15 =	vmul.f32 v12, v3  }
0x129: {  	[tilespmem:v7+s22+$0x0] =	vst.idx.msk $0xffff, v13;
	v7 =	vmul.f32 v12, v2  }
0x12a: {  	[tilespmem:v8+s22+$0x0] =	vst.idx.msk $0xffff, v15;
	v8 =	vmul.f32 v12, v1  }
0x12b: {  	[tilespmem:v9+s22+$0x0] =	vst.idx.msk $0xffff, v7  }
0x12c: {  	[tilespmem:v10+s22+$0x0] =	vst.idx.msk $0xffff, v8  }
0x12d: {  	[tilespmem:v11+s22+$0x0] =	vst.idx.msk $0xffff, v14  }
0x12e: {  	v7 =	vld [tilespmem:s25+$0x4B0]  }
0x12f: {  	v8 =	vld [tilespmem:$0x7410];
	_ =	sdelay $0x4  }
0x130: {  	v7 =	vsub.f32 v7, v8;
	_ =	sdelay $0x1  }
0x131: {  	v7 =	vmul.f32 $1.442695020e+00, v7;
	_ =	sdelay $0x1  }
.Ltmp0:
0x132: {  	v9 =	vadd.s32 $0x2A, v6;
	(erf) = vpow2.f32 v7;
	(pc) =	sbr.rel @p0 .LBB2_3-.Ltmp0, $4  }
0x133: {  	v10 =	vadd.s32 $0x2B, v6  }
0x134: {  	v7 =	vadd.s32 $0x2C, v6  }
0x135: {  	v8 =	vadd.s32 $0x2D, v6  }
0x136: {  	v6 =	vadd.s32 $0x2E, v6  }
0x137: {  	_ =	sdelay $0x3  }
0x138: {  	v11 =	vpop (erf)  }
0x139: {  	v4 =	vmul.f32 v11, v4  }
0x13a: {  	v3 =	vmul.f32 v11, v3  }
0x13b: {  	v2 =	vmul.f32 v11, v2;
	[tilespmem:v9+s22+$0x0] =	vst.idx.msk $0xffff, v4  }
0x13c: {  	v1 =	vmul.f32 v11, v1;
	[tilespmem:v10+s22+$0x0] =	vst.idx.msk $0xffff, v3  }
0x13d: {  	s24 =	sadd.s32 $0x1, s24;
	v3 =	vmul.f32 v11, v5;
	[tilespmem:v7+s22+$0x0] =	vst.idx.msk $0xffff, v2  }
0x13e: {  	p0 =	sne.s32 s24, $0x32;
	[tilespmem:v8+s22+$0x0] =	vst.idx.msk $0xffff, v1  }
.Ltmp1:
0x13f: {  	[tilespmem:v6+s22+$0x0] =	vst.idx.msk $0xffff, v3;
	(pc) =	sbr.rel @p0 .LBB2_2-.Ltmp1, $4  }
0x140: {  	[spmem:s3] =	stream.indirect.scatter.add.f32 [tilespmem:s22], [sflag:$0x2], $0x30, s18, s18, $0xb8;
	[tilespmem:$0xE950] =	vst v63  }
0x141: {  	_ =	swait.ge [sflag:s15], $0x4B00  }
0x142: {  	[sflag:s15] =	ssyncset.done $0x0  }
0x143: {  	[sflag:s15] =	ssyncadd.s32 $0xFFFFB500  }
0x144: {  	s23 =	sadd.s32 $0x1, s23  }
0x145: {  	p0 =	sne.s32 s23, s13  }
.Ltmp2:
0x146: {  	[bflag:$0x0] =	sbarrier.arrive $0xFFFF;
	(pc) =	sbr.rel @p0 .LBB2_1-.Ltmp2, $4  }
0x147: {  	[hbm:s12], [sflag:s16] =	dma.local [spmem:s17], $0xEA6  }
0x148: {  	_ =	swait.ge [sflag:s15], $0xEA6  }
0x149: {  	[sflag:s15] =	ssyncset.done $0x0  }
0x14a: {  	[sflag:s15] =	ssyncadd.s32 $0xFFFFF15A  }
0x14b: {  	_ =	sfence.sel $0x180000  }
0x14c: {  	[bflag:$0x0] =	sbarrier.arrive $0xFFFF  }
0x14d: {  	p0 =	sne.s32 s1, $0x0;
	_ =	strace $0x9000004A  }
0x14e: {  	s0 =	sadd.s32 @!p0 $0x100000, s0;
	[bflag:$0x2] =	sbarrier.arrive $0xFFFF  }
0x14f: {  	[sflag:s0] =	ssyncadd.tile.s32 @!p0 $0x1;
	_ =	shalt  }
.Lfunc_end2:
_tile_overlayer_lowered:
.L_overlay_start_2:
0x150: {  	(tag) =	ssettag $0x2  }
0x151: {  	s0 =	rddreg [dreg:$0x0];
	s2 =	stileid.u32  }
0x152: {  	s1 =	rddreg [dreg:$0x1];
	p0 =	sne.s32 s2, $0x0  }
0x153: {  	s3 =	rddreg [dreg:$0x2];
	[bflag:$0x3] =	sbarrier.arrive $0xFFFF;
	s2 =	simm.s32 @!p0 $0x1C02  }
0x154: {  	[timem:s3], [sflag:s2] =	dma.local @!p0 [hbm:s0], s1  }
0x155: {  	s0 =	simm.s32 @!p0 $0x2  }
0x156: {  	_ =	swait.ge @!p0 [sflag:s0], s1  }
0x157: {  	s1 =	ssub.s32 @!p0 $0x0, s1;
	[sflag:s0] =	ssyncset.done @!p0 $0x0  }
0x158: {  	[sflag:s0] =	ssyncadd.s32 @!p0 s1  }
0x159: {  	[bflag:$0x3] =	sbarrier.arrive $0xFFFF  }
0x15a: {  	_ =	shalt  }

</sc_bundles>
